<compile_context>
chip_gen: v7x
topology: tpu7x:2x2x1
jax: 0.10.2.dev20260603
libtpu: 0.0.44.dev20260713+nightly
codegen_flags: <defaults>
</compile_context>

<pallas_src>
import jax
import jax.numpy as jnp
from jax import lax
from jax.experimental import pallas as pl
from jax.experimental.pallas import tpu as pltpu
from jax.experimental.pallas import tpu_sc as plsc

_BETA = 0.1
_NCLASS = 8
_N = 512
_B = 128
_NW = 32
_PPW = _B // _NW
_JB = 4


def _qsqrt(s, scale):
    i = lax.bitcast_convert_type(s, jnp.int32)
    i = jnp.int32(0x5F3759DF) - (i >> 1)
    y = lax.bitcast_convert_type(i, jnp.float32)
    for _ in range(3):
        y = y * (1.5 - 0.5 * s * y * y)
    return s * y * scale


def _recip(x):
    i = lax.bitcast_convert_type(x, jnp.int32)
    i = jnp.int32(0x5F3759DF) - (i >> 1)
    y = lax.bitcast_convert_type(i, jnp.float32)
    for _ in range(3):
        y = y * (1.5 - 0.5 * x * y * y)
    return y * y


def _sc_kernel(pos1_hbm, pos2_hbm, deg1_hbm, deg2_hbm, p1_hbm, p2_hbm,
               bnds_hbm, aux_hbm, out_hbm,
               svm, dvm, wvm, avm, bvm, pvm, y0p, y1p, n0p, n1p, qp, gp, rvm, sem):
    wid = lax.axis_index("s") * 2 + lax.axis_index("c")
    iota = lax.iota(jnp.int32, 16)

    def pair_body(k, resvec):
        p = wid * _PPW + k
        copies = [
            pltpu.async_copy(pos1_hbm.at[p], svm.at[pl.ds(0, 1024)], sem),
            pltpu.async_copy(pos2_hbm.at[p], svm.at[pl.ds(1024, 1024)], sem),
            pltpu.async_copy(deg1_hbm.at[p], dvm.at[pl.ds(0, 512)], sem),
            pltpu.async_copy(deg2_hbm.at[p], dvm.at[pl.ds(512, 512)], sem),
            pltpu.async_copy(p1_hbm.at[p], wvm.at[pl.ds(0, 512)], sem),
            pltpu.async_copy(p2_hbm.at[p], wvm.at[pl.ds(512, 512)], sem),
            pltpu.async_copy(bnds_hbm.at[p], bvm, sem),
            pltpu.async_copy(aux_hbm.at[p], avm, sem),
        ]
        for c in copies:
            c.wait()

        @plsc.parallel_loop(0, 64, unroll=4)
        def perm_build(v):
            soff = jnp.where(v < 32, 0, 512)
            posv = wvm[pl.ds(v * 16, 16)]
            plsc.store_scatter(pvm, [posv + soff], iota + v * 16)

        sb0 = _qsqrt(avm[pl.ds(0, 16)] * _BETA, 1.0)
        sb1 = _qsqrt(avm[pl.ds(16, 16)] * (1.0 - _BETA), 1.0)

        @plsc.parallel_loop(0, 64, unroll=2)
        def permute(v):
            o = v * 16
            pv = pvm[pl.ds(o, 16)]
            c0 = plsc.load_gather(svm, [pv + pv])
            c1 = plsc.load_gather(svm, [pv + pv + 1])
            dgi = plsc.load_gather(dvm, [pv])
            x0 = c0 * sb0
            x1 = c1 * sb1
            y0p[pl.ds(o, 16)] = x0
            y1p[pl.ds(o, 16)] = x1
            n0p[pl.ds(o, 16)] = x0 * (-2.0)
            n1p[pl.ds(o, 16)] = x1 * (-2.0)
            qp[pl.ds(o, 16)] = x0 * x0 + x1 * x1
            gp[pl.ds(o, 16)] = dgi.astype(jnp.float32)

        @plsc.parallel_loop(0, 64, unroll=4, carry=jnp.zeros((16,), jnp.float32))
        def dsum_loop(v, acc):
            return acc + gp[pl.ds(v * 16, 16)]

        norm = 4096.0 + 16.0 * jnp.sum(dsum_loop)

        def pass_body(t, total):
            lane_off = 512 - t * 512
            loop_off = t * 512
            bnd_off = t * 144

            def class_round(c, hi_ok, a, y0, y1, dg, qy):
                lo = bvm[pl.ds(bnd_off + c * 16, 16)][0]
                hi0 = bvm[pl.ds(bnd_off + c * 16 + 16, 16)][0]
                hi = jnp.where(hi_ok, hi0, lo)
                s0 = tuple(jnp.full((16,), 1e30, jnp.float32) for _ in range(_JB))

                @plsc.parallel_loop(lo, hi, unroll=4, carry=s0)
                def i_loop(i, s):
                    idx = jnp.full((16,), i + loop_off, jnp.int32)
                    n0 = plsc.load_gather(n0p, [idx])
                    n1 = plsc.load_gather(n1p, [idx])
                    qx = plsc.load_gather(qp, [idx])
                    out = []
                    for v in range(_JB):
                        t2 = y0[v] * n0 + y1[v] * n1
                        out.append(jnp.minimum(s[v], t2 + qx))
                    return tuple(out)

                s = i_loop
                cf = c.astype(jnp.float32)
                return tuple(
                    jnp.minimum(
                        a[v],
                        _qsqrt(jnp.maximum(s[v] + qy[v], 0.0), 0.25)
                        + 4.0 * jnp.abs(cf - dg[v]),
                    )
                    for v in range(_JB)
                )

            def jb_body(jb, sumacc):
                base = lane_off + jb * (16 * _JB)
                y0 = [y0p[pl.ds(base + v * 16, 16)] for v in range(_JB)]
                y1 = [y1p[pl.ds(base + v * 16, 16)] for v in range(_JB)]
                dg = [gp[pl.ds(base + v * 16, 16)] for v in range(_JB)]
                qy = [qp[pl.ds(base + v * 16, 16)] for v in range(_JB)]
                a = tuple(4.0 + 8.0 * dg[v] for v in range(_JB))

                dmn = dg[0]
                dmx = dg[0]
                for v in range(1, _JB):
                    dmn = jnp.minimum(dmn, dg[v])
                    dmx = jnp.maximum(dmx, dg[v])
                dmin = jnp.min(dmn)
                dmax = jnp.max(dmx)
                dminI = dmin.astype(jnp.int32)
                dmaxI = dmax.astype(jnp.int32)

                def r1_body(c, a):
                    return class_round(c, True, a, y0, y1, dg, qy)

                a = lax.fori_loop(dminI, dmaxI + 1, r1_body, a)

                amx = a[0]
                for v in range(1, _JB):
                    amx = jnp.maximum(amx, a[v])
                amax = jnp.max(amx)

                def r2(*a_in):
                    def r2_body(c, a):
                        cf = c.astype(jnp.float32)
                        dist = jnp.maximum(dmin - cf, cf - dmax)
                        return class_round(c, (dist > 0) & (amax > 4.0 * dist),
                                           a, y0, y1, dg, qy)

                    return lax.fori_loop(0, _NCLASS, r2_body, tuple(a_in))

                def r2_skip(*a_in):
                    return tuple(a_in)

                a = lax.cond(amax > 4.0, r2, r2_skip, *a)

                for v in range(_JB):
                    sumacc = sumacc + a[v]
                return sumacc

            return lax.fori_loop(0, 512 // (16 * _JB), jb_body, total)

        total = lax.fori_loop(0, 2, pass_body, jnp.zeros((16,), jnp.float32))
        res = jnp.sum(total) * _recip(norm)
        return jnp.where(iota == k, res, resvec)

    resvec = lax.fori_loop(0, _PPW, pair_body, jnp.zeros((16,), jnp.float32))
    rvm[...] = resvec
    pltpu.sync_copy(rvm, out_hbm.at[wid])


def _count_positions(deg):
    oh = (deg[:, :, None] == jnp.arange(_NCLASS)[None, None, :]).astype(jnp.float32)
    L = jnp.tril(jnp.ones((_N, _N), jnp.float32), k=-1)
    below = jnp.einsum("ij,bjc->bic", L, oh)
    rank = (below * oh).sum(-1)
    tot = oh.sum(1)
    starts = jnp.cumsum(tot, axis=-1) - tot
    pos = rank + (oh * starts[:, None, :]).sum(-1)
    bounds = jnp.concatenate(
        [starts, jnp.full((deg.shape[0], 1), _N, jnp.float32)], axis=1
    )
    return pos.astype(jnp.int32), bounds.astype(jnp.int32)


@jax.jit
def kernel(pos1, pos2, std1, deg1, deg2):
    B = _B
    f32 = jnp.float32
    i32 = jnp.int32

    p1, b1 = _count_positions(deg1)
    p2, b2 = _count_positions(deg2)
    bnds = jnp.concatenate([b1, b2], axis=1)
    bnds = jnp.broadcast_to(bnds[:, :, None], (B, 18, 16)).reshape(B, 288)
    aux = jnp.concatenate(
        [jnp.broadcast_to(std1[:, 0:1], (B, 16)),
         jnp.broadcast_to(std1[:, 1:2], (B, 16))], axis=1
    )

    mesh = plsc.VectorSubcoreMesh(
        core_axis_name="c", subcore_axis_name="s", num_cores=2, num_subcores=16
    )
    out2d = pl.kernel(
        _sc_kernel,
        out_type=jax.ShapeDtypeStruct((_NW, 16), f32),
        mesh=mesh,
        compiler_params=pltpu.CompilerParams(needs_layout_passes=False),
        scratch_types=[
            pltpu.VMEM((2048,), f32),
            pltpu.VMEM((1024,), i32),
            pltpu.VMEM((1024,), i32),
            pltpu.VMEM((32,), f32),
            pltpu.VMEM((288,), i32),
            pltpu.VMEM((1024,), i32),
            pltpu.VMEM((1024,), f32),
            pltpu.VMEM((1024,), f32),
            pltpu.VMEM((1024,), f32),
            pltpu.VMEM((1024,), f32),
            pltpu.VMEM((1024,), f32),
            pltpu.VMEM((1024,), f32),
            pltpu.VMEM((16,), f32),
            pltpu.SemaphoreType.DMA,
        ],
    )(pos1.reshape(B, 1024), pos2.reshape(B, 1024), deg1, deg2, p1, p2, bnds, aux)
    return out2d[:, :_PPW].reshape(B)

# --- scband reference (transcript-rebuilt; emitter-appended) ---
"""Pipeline reference for scband-hausdorff-edit-distance-23021024707152 (READ-ONLY COPY).

The authoritative reference and input builder live on the scoring server;
editing this copy changes nothing except your own understanding.
"""

import jax, jax.numpy as jnp
import numpy as np

ALPHA = 0.5
BETA = 0.1
TAU_N = 4.0
TAU_E = 16.0


def setup_inputs(seed: int = 0) -> dict:
    key = jax.random.key(seed)
    k1, k2, k3, k4, k5 = jax.random.split(key, 5)
    B, N = 128, 512
    pos1 = jax.random.normal(k1, (B, N, 2), dtype=jnp.float32)
    pos2 = jax.random.normal(k2, (B, N, 2), dtype=jnp.float32)
    std1 = jax.random.uniform(k3, (B, 2), dtype=jnp.float32)
    deg1 = jax.random.randint(k4, (B, N), 0, 8, dtype=jnp.int32)
    deg2 = jax.random.randint(k5, (B, N), 0, 8, dtype=jnp.int32)
    return {"pos1": pos1, "pos2": pos2, "std1": std1, "deg1": deg1, "deg2": deg2}


def _cdist(set1, set2, p=2.0):
    # [N1, N2, d] elementwise |x_i - y_j|^p, matching torch cdist helper in module
    xx = set1[:, None, :]
    yy = set2[None, :, :]
    return jnp.abs(xx - yy) ** p


def _soft_hausdorff(p1, p2, deg1, deg2, std):
    dtype = p1.dtype
    n1 = p1.shape[0]
    n2 = p2.shape[0]
    d1e = deg1.astype(dtype)
    d2e = deg2.astype(dtype)
    d1 = TAU_N + d1e * TAU_E / 2.0
    d2 = TAU_N + d2e * TAU_E / 2.0
    beta_vec = jnp.array([BETA, 1.0 - BETA], dtype=dtype)  # [2]
    beta = beta_vec[None, None, :] * std  # broadcast over [N1, N2, 2]
    dist_matrix = _cdist(p1, p2, p=2.0)  # [N1, N2, 2]
    dist_matrix = beta * dist_matrix
    dist_matrix = ALPHA * jnp.sqrt(dist_matrix.sum(-1))
    edges_hed = deg1[:, None] - deg2[None, :]
    edges_hed = TAU_E * jnp.abs(edges_hed.astype(dtype))
    dist_matrix = dist_matrix + edges_hed / 2.0
    dist_matrix = dist_matrix / 2.0
    a = dist_matrix.min(axis=0)
    a = jnp.minimum(a, d2)
    b = dist_matrix.min(axis=1)
    b = jnp.minimum(b, d1)
    d = a.sum() + b.sum()
    upper_bound = jnp.abs(jnp.asarray((n1 - n2) * TAU_N, dtype=dtype))
    d = jnp.where(d < upper_bound, upper_bound, d)
    e1 = d1e.sum()  # number_of_edges(g1) == sum of in-degrees
    e2 = d2e.sum()
    normalization = TAU_N * (n1 + n2) + TAU_E * (e1 + e2)
    return d / normalization


def reference(pos1, pos2, std1, deg1, deg2):
    # mode='pairs': distance between paired graphs, stacked over the batch
    f = jax.vmap(_soft_hausdorff, in_axes=(0, 0, 0, 0, 0))
    return f(pos1, pos2, deg1, deg2, std1)

if __name__ == "__main__":
    import jax
    _d = setup_inputs()
    print(jax.jit(kernel)(*tuple(_d.values())))

</pallas_src>

<mosaic_0001>
#map = affine_map<(d0, d1) -> (0, 0)>
module attributes {stable_mosaic.version = 14 : i64} {
  func.func @_sc_kernel(%arg0: i32, %arg1: i32, %arg2: memref<128x1024xf32, #tpu.memory_space<hbm>>, %arg3: memref<128x1024xf32, #tpu.memory_space<hbm>>, %arg4: memref<128x512xi32, #tpu.memory_space<hbm>>, %arg5: memref<128x512xi32, #tpu.memory_space<hbm>>, %arg6: memref<128x512xi32, #tpu.memory_space<hbm>>, %arg7: memref<128x512xi32, #tpu.memory_space<hbm>>, %arg8: memref<128x288xi32, #tpu.memory_space<hbm>>, %arg9: memref<128x32xf32, #tpu.memory_space<hbm>>, %arg10: memref<32x16xf32, #tpu.memory_space<hbm>>, %arg11: memref<2048xf32, #tpu.memory_space<vmem>>, %arg12: memref<1024xi32, #tpu.memory_space<vmem>>, %arg13: memref<1024xi32, #tpu.memory_space<vmem>>, %arg14: memref<32xf32, #tpu.memory_space<vmem>>, %arg15: memref<288xi32, #tpu.memory_space<vmem>>, %arg16: memref<1024xi32, #tpu.memory_space<vmem>>, %arg17: memref<1024xf32, #tpu.memory_space<vmem>>, %arg18: memref<1024xf32, #tpu.memory_space<vmem>>, %arg19: memref<1024xf32, #tpu.memory_space<vmem>>, %arg20: memref<1024xf32, #tpu.memory_space<vmem>>, %arg21: memref<1024xf32, #tpu.memory_space<vmem>>, %arg22: memref<1024xf32, #tpu.memory_space<vmem>>, %arg23: memref<16xf32, #tpu.memory_space<vmem>>, %arg24: memref<!tpu.dma_semaphore, #tpu.memory_space<semaphore_mem>>) attributes {dimension_semantics = [#tpu.dimension_semantics<core_parallel>, #tpu.dimension_semantics<subcore_parallel>], iteration_bounds = array<i64: 2, 16>, scalar_prefetch = 0 : i64, scratch_operands = 14 : i64, tpu.core_type = #tpu.core_type<sc_vector_subcore>, window_params = [{transform_indices = #map}, {transform_indices = #map}, {transform_indices = #map}, {transform_indices = #map}, {transform_indices = #map}, {transform_indices = #map}, {transform_indices = #map}, {transform_indices = #map}, {transform_indices = #map}]} {
    %mul3A = arith.constant 2 : i32
    %mul3A_0 = arith.muli %arg1, %mul3A : i32
    %add3A = arith.addi %mul3A_0, %arg0 : i32
    %iota3A = tpu.iota {dimensions = array<i32: 0>} : vector<16xi32>
    %broadcast_in_dim3A = arith.constant 0.000000e+00 : f32
    %broadcast_in_dim3A_1 = vector.broadcast %broadcast_in_dim3A : f32 to vector<16xf32>
    %scan3A = arith.constant 0 : i32
    %scan3A_2 = arith.constant 4 : i32
    %scan3A_3 = arith.addi %scan3A, %scan3A_2 : i32
    %scan3A_4 = arith.constant 1 : i32
    %scan3A_5 = scf.for %scan3A_8 = %scan3A to %scan3A_3 step %scan3A_4 iter_args(%scan3A_9 = %broadcast_in_dim3A_1) -> (vector<16xf32>)  : i32 {
      %mul3A_10 = arith.constant 4 : i32
      %mul3A_11 = arith.muli %add3A, %mul3A_10 : i32
      %add3A_12 = arith.addi %mul3A_11, %scan3A_8 : i32
      %dma_start3A = arith.constant 0 : i32
      %dma_start3A_13 = tpu.memref_slice %arg11[%dma_start3A] : memref<2048xf32, #tpu.memory_space<vmem>> -> memref<1024xf32, #tpu.memory_space<vmem>>
      %dma_start3A_14 = arith.constant 0 : i32
      %dma_start3A_15 = tpu.memref_slice %arg2[%add3A_12, %dma_start3A_14] : memref<128x1024xf32, #tpu.memory_space<hbm>> -> memref<1x1024xf32, #tpu.memory_space<hbm>>
      %dma_start3A_16 = tpu.memref_squeeze %dma_start3A_15 : memref<1x1024xf32, #tpu.memory_space<hbm>> -> memref<1024xf32, #tpu.memory_space<hbm>>
      %dma_start3A_17 = arith.constant 0 : i32
      %dma_start3A_18 = tpu.memref_slice %arg11[%dma_start3A_17] : memref<2048xf32, #tpu.memory_space<vmem>> -> memref<1024xf32, #tpu.memory_space<vmem>>
      %dma_start3A_19 = arith.constant 0 : i32
      %dma_start3A_20 = tpu.memref_slice %arg2[%add3A_12, %dma_start3A_19] : memref<128x1024xf32, #tpu.memory_space<hbm>> -> memref<1x1024xf32, #tpu.memory_space<hbm>>
      %dma_start3A_21 = tpu.memref_squeeze %dma_start3A_20 : memref<1x1024xf32, #tpu.memory_space<hbm>> -> memref<1024xf32, #tpu.memory_space<hbm>>
      tpu.enqueue_dma source(%dma_start3A_21 : memref<1024xf32, #tpu.memory_space<hbm>>) target(%dma_start3A_18 : memref<1024xf32, #tpu.memory_space<vmem>>) target_semaphore(%arg24 : memref<!tpu.dma_semaphore, #tpu.memory_space<semaphore_mem>>)
      %dma_start3A_22 = arith.constant 1024 : i32
      %dma_start3A_23 = tpu.memref_slice %arg11[%dma_start3A_22] : memref<2048xf32, #tpu.memory_space<vmem>> -> memref<1024xf32, #tpu.memory_space<vmem>>
      %dma_start3A_24 = arith.constant 0 : i32
      %dma_start3A_25 = tpu.memref_slice %arg3[%add3A_12, %dma_start3A_24] : memref<128x1024xf32, #tpu.memory_space<hbm>> -> memref<1x1024xf32, #tpu.memory_space<hbm>>
      %dma_start3A_26 = tpu.memref_squeeze %dma_start3A_25 : memref<1x1024xf32, #tpu.memory_space<hbm>> -> memref<1024xf32, #tpu.memory_space<hbm>>
      %dma_start3A_27 = arith.constant 1024 : i32
      %dma_start3A_28 = tpu.memref_slice %arg11[%dma_start3A_27] : memref<2048xf32, #tpu.memory_space<vmem>> -> memref<1024xf32, #tpu.memory_space<vmem>>
      %dma_start3A_29 = arith.constant 0 : i32
      %dma_start3A_30 = tpu.memref_slice %arg3[%add3A_12, %dma_start3A_29] : memref<128x1024xf32, #tpu.memory_space<hbm>> -> memref<1x1024xf32, #tpu.memory_space<hbm>>
      %dma_start3A_31 = tpu.memref_squeeze %dma_start3A_30 : memref<1x1024xf32, #tpu.memory_space<hbm>> -> memref<1024xf32, #tpu.memory_space<hbm>>
      tpu.enqueue_dma source(%dma_start3A_31 : memref<1024xf32, #tpu.memory_space<hbm>>) target(%dma_start3A_28 : memref<1024xf32, #tpu.memory_space<vmem>>) target_semaphore(%arg24 : memref<!tpu.dma_semaphore, #tpu.memory_space<semaphore_mem>>)
      %dma_start3A_32 = arith.constant 0 : i32
      %dma_start3A_33 = tpu.memref_slice %arg12[%dma_start3A_32] : memref<1024xi32, #tpu.memory_space<vmem>> -> memref<512xi32, #tpu.memory_space<vmem>>
      %dma_start3A_34 = arith.constant 0 : i32
      %dma_start3A_35 = tpu.memref_slice %arg4[%add3A_12, %dma_start3A_34] : memref<128x512xi32, #tpu.memory_space<hbm>> -> memref<1x512xi32, #tpu.memory_space<hbm>>
      %dma_start3A_36 = tpu.memref_squeeze %dma_start3A_35 : memref<1x512xi32, #tpu.memory_space<hbm>> -> memref<512xi32, #tpu.memory_space<hbm>>
      %dma_start3A_37 = arith.constant 0 : i32
      %dma_start3A_38 = tpu.memref_slice %arg12[%dma_start3A_37] : memref<1024xi32, #tpu.memory_space<vmem>> -> memref<512xi32, #tpu.memory_space<vmem>>
      %dma_start3A_39 = arith.constant 0 : i32
      %dma_start3A_40 = tpu.memref_slice %arg4[%add3A_12, %dma_start3A_39] : memref<128x512xi32, #tpu.memory_space<hbm>> -> memref<1x512xi32, #tpu.memory_space<hbm>>
      %dma_start3A_41 = tpu.memref_squeeze %dma_start3A_40 : memref<1x512xi32, #tpu.memory_space<hbm>> -> memref<512xi32, #tpu.memory_space<hbm>>
      tpu.enqueue_dma source(%dma_start3A_41 : memref<512xi32, #tpu.memory_space<hbm>>) target(%dma_start3A_38 : memref<512xi32, #tpu.memory_space<vmem>>) target_semaphore(%arg24 : memref<!tpu.dma_semaphore, #tpu.memory_space<semaphore_mem>>)
      %dma_start3A_42 = arith.constant 512 : i32
      %dma_start3A_43 = tpu.memref_slice %arg12[%dma_start3A_42] : memref<1024xi32, #tpu.memory_space<vmem>> -> memref<512xi32, #tpu.memory_space<vmem>>
      %dma_start3A_44 = arith.constant 0 : i32
      %dma_start3A_45 = tpu.memref_slice %arg5[%add3A_12, %dma_start3A_44] : memref<128x512xi32, #tpu.memory_space<hbm>> -> memref<1x512xi32, #tpu.memory_space<hbm>>
      %dma_start3A_46 = tpu.memref_squeeze %dma_start3A_45 : memref<1x512xi32, #tpu.memory_space<hbm>> -> memref<512xi32, #tpu.memory_space<hbm>>
      %dma_start3A_47 = arith.constant 512 : i32
      %dma_start3A_48 = tpu.memref_slice %arg12[%dma_start3A_47] : memref<1024xi32, #tpu.memory_space<vmem>> -> memref<512xi32, #tpu.memory_space<vmem>>
      %dma_start3A_49 = arith.constant 0 : i32
      %dma_start3A_50 = tpu.memref_slice %arg5[%add3A_12, %dma_start3A_49] : memref<128x512xi32, #tpu.memory_space<hbm>> -> memref<1x512xi32, #tpu.memory_space<hbm>>
      %dma_start3A_51 = tpu.memref_squeeze %dma_start3A_50 : memref<1x512xi32, #tpu.memory_space<hbm>> -> memref<512xi32, #tpu.memory_space<hbm>>
      tpu.enqueue_dma source(%dma_start3A_51 : memref<512xi32, #tpu.memory_space<hbm>>) target(%dma_start3A_48 : memref<512xi32, #tpu.memory_space<vmem>>) target_semaphore(%arg24 : memref<!tpu.dma_semaphore, #tpu.memory_space<semaphore_mem>>)
      %dma_start3A_52 = arith.constant 0 : i32
      %dma_start3A_53 = tpu.memref_slice %arg13[%dma_start3A_52] : memref<1024xi32, #tpu.memory_space<vmem>> -> memref<512xi32, #tpu.memory_space<vmem>>
      %dma_start3A_54 = arith.constant 0 : i32
      %dma_start3A_55 = tpu.memref_slice %arg6[%add3A_12, %dma_start3A_54] : memref<128x512xi32, #tpu.memory_space<hbm>> -> memref<1x512xi32, #tpu.memory_space<hbm>>
      %dma_start3A_56 = tpu.memref_squeeze %dma_start3A_55 : memref<1x512xi32, #tpu.memory_space<hbm>> -> memref<512xi32, #tpu.memory_space<hbm>>
      %dma_start3A_57 = arith.constant 0 : i32
      %dma_start3A_58 = tpu.memref_slice %arg13[%dma_start3A_57] : memref<1024xi32, #tpu.memory_space<vmem>> -> memref<512xi32, #tpu.memory_space<vmem>>
      %dma_start3A_59 = arith.constant 0 : i32
      %dma_start3A_60 = tpu.memref_slice %arg6[%add3A_12, %dma_start3A_59] : memref<128x512xi32, #tpu.memory_space<hbm>> -> memref<1x512xi32, #tpu.memory_space<hbm>>
      %dma_start3A_61 = tpu.memref_squeeze %dma_start3A_60 : memref<1x512xi32, #tpu.memory_space<hbm>> -> memref<512xi32, #tpu.memory_space<hbm>>
      tpu.enqueue_dma source(%dma_start3A_61 : memref<512xi32, #tpu.memory_space<hbm>>) target(%dma_start3A_58 : memref<512xi32, #tpu.memory_space<vmem>>) target_semaphore(%arg24 : memref<!tpu.dma_semaphore, #tpu.memory_space<semaphore_mem>>)
      %dma_start3A_62 = arith.constant 512 : i32
      %dma_start3A_63 = tpu.memref_slice %arg13[%dma_start3A_62] : memref<1024xi32, #tpu.memory_space<vmem>> -> memref<512xi32, #tpu.memory_space<vmem>>
      %dma_start3A_64 = arith.constant 0 : i32
      %dma_start3A_65 = tpu.memref_slice %arg7[%add3A_12, %dma_start3A_64] : memref<128x512xi32, #tpu.memory_space<hbm>> -> memref<1x512xi32, #tpu.memory_space<hbm>>
      %dma_start3A_66 = tpu.memref_squeeze %dma_start3A_65 : memref<1x512xi32, #tpu.memory_space<hbm>> -> memref<512xi32, #tpu.memory_space<hbm>>
      %dma_start3A_67 = arith.constant 512 : i32
      %dma_start3A_68 = tpu.memref_slice %arg13[%dma_start3A_67] : memref<1024xi32, #tpu.memory_space<vmem>> -> memref<512xi32, #tpu.memory_space<vmem>>
      %dma_start3A_69 = arith.constant 0 : i32
      %dma_start3A_70 = tpu.memref_slice %arg7[%add3A_12, %dma_start3A_69] : memref<128x512xi32, #tpu.memory_space<hbm>> -> memref<1x512xi32, #tpu.memory_space<hbm>>
      %dma_start3A_71 = tpu.memref_squeeze %dma_start3A_70 : memref<1x512xi32, #tpu.memory_space<hbm>> -> memref<512xi32, #tpu.memory_space<hbm>>
      tpu.enqueue_dma source(%dma_start3A_71 : memref<512xi32, #tpu.memory_space<hbm>>) target(%dma_start3A_68 : memref<512xi32, #tpu.memory_space<vmem>>) target_semaphore(%arg24 : memref<!tpu.dma_semaphore, #tpu.memory_space<semaphore_mem>>)
      %dma_start3A_72 = arith.constant 0 : i32
      %dma_start3A_73 = tpu.memref_slice %arg8[%add3A_12, %dma_start3A_72] : memref<128x288xi32, #tpu.memory_space<hbm>> -> memref<1x288xi32, #tpu.memory_space<hbm>>
      %dma_start3A_74 = tpu.memref_squeeze %dma_start3A_73 : memref<1x288xi32, #tpu.memory_space<hbm>> -> memref<288xi32, #tpu.memory_space<hbm>>
      %dma_start3A_75 = arith.constant 0 : i32
      %dma_start3A_76 = tpu.memref_slice %arg8[%add3A_12, %dma_start3A_75] : memref<128x288xi32, #tpu.memory_space<hbm>> -> memref<1x288xi32, #tpu.memory_space<hbm>>
      %dma_start3A_77 = tpu.memref_squeeze %dma_start3A_76 : memref<1x288xi32, #tpu.memory_space<hbm>> -> memref<288xi32, #tpu.memory_space<hbm>>
      tpu.enqueue_dma source(%dma_start3A_77 : memref<288xi32, #tpu.memory_space<hbm>>) target(%arg15 : memref<288xi32, #tpu.memory_space<vmem>>) target_semaphore(%arg24 : memref<!tpu.dma_semaphore, #tpu.memory_space<semaphore_mem>>)
      %dma_start3A_78 = arith.constant 0 : i32
      %dma_start3A_79 = tpu.memref_slice %arg9[%add3A_12, %dma_start3A_78] : memref<128x32xf32, #tpu.memory_space<hbm>> -> memref<1x32xf32, #tpu.memory_space<hbm>>
      %dma_start3A_80 = tpu.memref_squeeze %dma_start3A_79 : memref<1x32xf32, #tpu.memory_space<hbm>> -> memref<32xf32, #tpu.memory_space<hbm>>
      %dma_start3A_81 = arith.constant 0 : i32
      %dma_start3A_82 = tpu.memref_slice %arg9[%add3A_12, %dma_start3A_81] : memref<128x32xf32, #tpu.memory_space<hbm>> -> memref<1x32xf32, #tpu.memory_space<hbm>>
      %dma_start3A_83 = tpu.memref_squeeze %dma_start3A_82 : memref<1x32xf32, #tpu.memory_space<hbm>> -> memref<32xf32, #tpu.memory_space<hbm>>
      tpu.enqueue_dma source(%dma_start3A_83 : memref<32xf32, #tpu.memory_space<hbm>>) target(%arg14 : memref<32xf32, #tpu.memory_space<vmem>>) target_semaphore(%arg24 : memref<!tpu.dma_semaphore, #tpu.memory_space<semaphore_mem>>)
      %dma_wait3A = arith.constant 0 : i32
      %dma_wait3A_84 = tpu.memref_slice %arg11[%dma_wait3A] : memref<2048xf32, #tpu.memory_space<vmem>> -> memref<1024xf32, #tpu.memory_space<vmem>>
      %dma_wait3A_85 = arith.constant 0 : i32
      %dma_wait3A_86 = tpu.memref_slice %arg2[%add3A_12, %dma_wait3A_85] : memref<128x1024xf32, #tpu.memory_space<hbm>> -> memref<1x1024xf32, #tpu.memory_space<hbm>>
      %dma_wait3A_87 = tpu.memref_squeeze %dma_wait3A_86 : memref<1x1024xf32, #tpu.memory_space<hbm>> -> memref<1024xf32, #tpu.memory_space<hbm>>
      %dma_wait3A_88 = arith.constant 0 : i32
      %dma_wait3A_89 = tpu.memref_slice %arg11[%dma_wait3A_88] : memref<2048xf32, #tpu.memory_space<vmem>> -> memref<1024xf32, #tpu.memory_space<vmem>>
      %dma_wait3A_90 = arith.constant 0 : i32
      %dma_wait3A_91 = tpu.memref_slice %arg2[%add3A_12, %dma_wait3A_90] : memref<128x1024xf32, #tpu.memory_space<hbm>> -> memref<1x1024xf32, #tpu.memory_space<hbm>>
      %dma_wait3A_92 = tpu.memref_squeeze %dma_wait3A_91 : memref<1x1024xf32, #tpu.memory_space<hbm>> -> memref<1024xf32, #tpu.memory_space<hbm>>
      tpu.wait_dma2 semaphore(%arg24 : memref<!tpu.dma_semaphore, #tpu.memory_space<semaphore_mem>>) src(%dma_wait3A_92 : memref<1024xf32, #tpu.memory_space<hbm>>) dst(%dma_wait3A_89 : memref<1024xf32, #tpu.memory_space<vmem>>)
      %dma_wait3A_93 = arith.constant 1024 : i32
      %dma_wait3A_94 = tpu.memref_slice %arg11[%dma_wait3A_93] : memref<2048xf32, #tpu.memory_space<vmem>> -> memref<1024xf32, #tpu.memory_space<vmem>>
      %dma_wait3A_95 = arith.constant 0 : i32
      %dma_wait3A_96 = tpu.memref_slice %arg3[%add3A_12, %dma_wait3A_95] : memref<128x1024xf32, #tpu.memory_space<hbm>> -> memref<1x1024xf32, #tpu.memory_space<hbm>>
      %dma_wait3A_97 = tpu.memref_squeeze %dma_wait3A_96 : memref<1x1024xf32, #tpu.memory_space<hbm>> -> memref<1024xf32, #tpu.memory_space<hbm>>
      %dma_wait3A_98 = arith.constant 1024 : i32
      %dma_wait3A_99 = tpu.memref_slice %arg11[%dma_wait3A_98] : memref<2048xf32, #tpu.memory_space<vmem>> -> memref<1024xf32, #tpu.memory_space<vmem>>
      %dma_wait3A_100 = arith.constant 0 : i32
      %dma_wait3A_101 = tpu.memref_slice %arg3[%add3A_12, %dma_wait3A_100] : memref<128x1024xf32, #tpu.memory_space<hbm>> -> memref<1x1024xf32, #tpu.memory_space<hbm>>
      %dma_wait3A_102 = tpu.memref_squeeze %dma_wait3A_101 : memref<1x1024xf32, #tpu.memory_space<hbm>> -> memref<1024xf32, #tpu.memory_space<hbm>>
      tpu.wait_dma2 semaphore(%arg24 : memref<!tpu.dma_semaphore, #tpu.memory_space<semaphore_mem>>) src(%dma_wait3A_102 : memref<1024xf32, #tpu.memory_space<hbm>>) dst(%dma_wait3A_99 : memref<1024xf32, #tpu.memory_space<vmem>>)
      %dma_wait3A_103 = arith.constant 0 : i32
      %dma_wait3A_104 = tpu.memref_slice %arg12[%dma_wait3A_103] : memref<1024xi32, #tpu.memory_space<vmem>> -> memref<512xi32, #tpu.memory_space<vmem>>
      %dma_wait3A_105 = arith.constant 0 : i32
      %dma_wait3A_106 = tpu.memref_slice %arg4[%add3A_12, %dma_wait3A_105] : memref<128x512xi32, #tpu.memory_space<hbm>> -> memref<1x512xi32, #tpu.memory_space<hbm>>
      %dma_wait3A_107 = tpu.memref_squeeze %dma_wait3A_106 : memref<1x512xi32, #tpu.memory_space<hbm>> -> memref<512xi32, #tpu.memory_space<hbm>>
      %dma_wait3A_108 = arith.constant 0 : i32
      %dma_wait3A_109 = tpu.memref_slice %arg12[%dma_wait3A_108] : memref<1024xi32, #tpu.memory_space<vmem>> -> memref<512xi32, #tpu.memory_space<vmem>>
      %dma_wait3A_110 = arith.constant 0 : i32
      %dma_wait3A_111 = tpu.memref_slice %arg4[%add3A_12, %dma_wait3A_110] : memref<128x512xi32, #tpu.memory_space<hbm>> -> memref<1x512xi32, #tpu.memory_space<hbm>>
      %dma_wait3A_112 = tpu.memref_squeeze %dma_wait3A_111 : memref<1x512xi32, #tpu.memory_space<hbm>> -> memref<512xi32, #tpu.memory_space<hbm>>
      tpu.wait_dma2 semaphore(%arg24 : memref<!tpu.dma_semaphore, #tpu.memory_space<semaphore_mem>>) src(%dma_wait3A_112 : memref<512xi32, #tpu.memory_space<hbm>>) dst(%dma_wait3A_109 : memref<512xi32, #tpu.memory_space<vmem>>)
      %dma_wait3A_113 = arith.constant 512 : i32
      %dma_wait3A_114 = tpu.memref_slice %arg12[%dma_wait3A_113] : memref<1024xi32, #tpu.memory_space<vmem>> -> memref<512xi32, #tpu.memory_space<vmem>>
      %dma_wait3A_115 = arith.constant 0 : i32
      %dma_wait3A_116 = tpu.memref_slice %arg5[%add3A_12, %dma_wait3A_115] : memref<128x512xi32, #tpu.memory_space<hbm>> -> memref<1x512xi32, #tpu.memory_space<hbm>>
      %dma_wait3A_117 = tpu.memref_squeeze %dma_wait3A_116 : memref<1x512xi32, #tpu.memory_space<hbm>> -> memref<512xi32, #tpu.memory_space<hbm>>
      %dma_wait3A_118 = arith.constant 512 : i32
      %dma_wait3A_119 = tpu.memref_slice %arg12[%dma_wait3A_118] : memref<1024xi32, #tpu.memory_space<vmem>> -> memref<512xi32, #tpu.memory_space<vmem>>
      %dma_wait3A_120 = arith.constant 0 : i32
      %dma_wait3A_121 = tpu.memref_slice %arg5[%add3A_12, %dma_wait3A_120] : memref<128x512xi32, #tpu.memory_space<hbm>> -> memref<1x512xi32, #tpu.memory_space<hbm>>
      %dma_wait3A_122 = tpu.memref_squeeze %dma_wait3A_121 : memref<1x512xi32, #tpu.memory_space<hbm>> -> memref<512xi32, #tpu.memory_space<hbm>>
      tpu.wait_dma2 semaphore(%arg24 : memref<!tpu.dma_semaphore, #tpu.memory_space<semaphore_mem>>) src(%dma_wait3A_122 : memref<512xi32, #tpu.memory_space<hbm>>) dst(%dma_wait3A_119 : memref<512xi32, #tpu.memory_space<vmem>>)
      %dma_wait3A_123 = arith.constant 0 : i32
      %dma_wait3A_124 = tpu.memref_slice %arg13[%dma_wait3A_123] : memref<1024xi32, #tpu.memory_space<vmem>> -> memref<512xi32, #tpu.memory_space<vmem>>
      %dma_wait3A_125 = arith.constant 0 : i32
      %dma_wait3A_126 = tpu.memref_slice %arg6[%add3A_12, %dma_wait3A_125] : memref<128x512xi32, #tpu.memory_space<hbm>> -> memref<1x512xi32, #tpu.memory_space<hbm>>
      %dma_wait3A_127 = tpu.memref_squeeze %dma_wait3A_126 : memref<1x512xi32, #tpu.memory_space<hbm>> -> memref<512xi32, #tpu.memory_space<hbm>>
      %dma_wait3A_128 = arith.constant 0 : i32
      %dma_wait3A_129 = tpu.memref_slice %arg13[%dma_wait3A_128] : memref<1024xi32, #tpu.memory_space<vmem>> -> memref<512xi32, #tpu.memory_space<vmem>>
      %dma_wait3A_130 = arith.constant 0 : i32
      %dma_wait3A_131 = tpu.memref_slice %arg6[%add3A_12, %dma_wait3A_130] : memref<128x512xi32, #tpu.memory_space<hbm>> -> memref<1x512xi32, #tpu.memory_space<hbm>>
      %dma_wait3A_132 = tpu.memref_squeeze %dma_wait3A_131 : memref<1x512xi32, #tpu.memory_space<hbm>> -> memref<512xi32, #tpu.memory_space<hbm>>
      tpu.wait_dma2 semaphore(%arg24 : memref<!tpu.dma_semaphore, #tpu.memory_space<semaphore_mem>>) src(%dma_wait3A_132 : memref<512xi32, #tpu.memory_space<hbm>>) dst(%dma_wait3A_129 : memref<512xi32, #tpu.memory_space<vmem>>)
      %dma_wait3A_133 = arith.constant 512 : i32
      %dma_wait3A_134 = tpu.memref_slice %arg13[%dma_wait3A_133] : memref<1024xi32, #tpu.memory_space<vmem>> -> memref<512xi32, #tpu.memory_space<vmem>>
      %dma_wait3A_135 = arith.constant 0 : i32
      %dma_wait3A_136 = tpu.memref_slice %arg7[%add3A_12, %dma_wait3A_135] : memref<128x512xi32, #tpu.memory_space<hbm>> -> memref<1x512xi32, #tpu.memory_space<hbm>>
      %dma_wait3A_137 = tpu.memref_squeeze %dma_wait3A_136 : memref<1x512xi32, #tpu.memory_space<hbm>> -> memref<512xi32, #tpu.memory_space<hbm>>
      %dma_wait3A_138 = arith.constant 512 : i32
      %dma_wait3A_139 = tpu.memref_slice %arg13[%dma_wait3A_138] : memref<1024xi32, #tpu.memory_space<vmem>> -> memref<512xi32, #tpu.memory_space<vmem>>
      %dma_wait3A_140 = arith.constant 0 : i32
      %dma_wait3A_141 = tpu.memref_slice %arg7[%add3A_12, %dma_wait3A_140] : memref<128x512xi32, #tpu.memory_space<hbm>> -> memref<1x512xi32, #tpu.memory_space<hbm>>
      %dma_wait3A_142 = tpu.memref_squeeze %dma_wait3A_141 : memref<1x512xi32, #tpu.memory_space<hbm>> -> memref<512xi32, #tpu.memory_space<hbm>>
      tpu.wait_dma2 semaphore(%arg24 : memref<!tpu.dma_semaphore, #tpu.memory_space<semaphore_mem>>) src(%dma_wait3A_142 : memref<512xi32, #tpu.memory_space<hbm>>) dst(%dma_wait3A_139 : memref<512xi32, #tpu.memory_space<vmem>>)
      %dma_wait3A_143 = arith.constant 0 : i32
      %dma_wait3A_144 = tpu.memref_slice %arg8[%add3A_12, %dma_wait3A_143] : memref<128x288xi32, #tpu.memory_space<hbm>> -> memref<1x288xi32, #tpu.memory_space<hbm>>
      %dma_wait3A_145 = tpu.memref_squeeze %dma_wait3A_144 : memref<1x288xi32, #tpu.memory_space<hbm>> -> memref<288xi32, #tpu.memory_space<hbm>>
      %dma_wait3A_146 = arith.constant 0 : i32
      %dma_wait3A_147 = tpu.memref_slice %arg8[%add3A_12, %dma_wait3A_146] : memref<128x288xi32, #tpu.memory_space<hbm>> -> memref<1x288xi32, #tpu.memory_space<hbm>>
      %dma_wait3A_148 = tpu.memref_squeeze %dma_wait3A_147 : memref<1x288xi32, #tpu.memory_space<hbm>> -> memref<288xi32, #tpu.memory_space<hbm>>
      tpu.wait_dma2 semaphore(%arg24 : memref<!tpu.dma_semaphore, #tpu.memory_space<semaphore_mem>>) src(%dma_wait3A_148 : memref<288xi32, #tpu.memory_space<hbm>>) dst(%arg15 : memref<288xi32, #tpu.memory_space<vmem>>)
      %dma_wait3A_149 = arith.constant 0 : i32
      %dma_wait3A_150 = tpu.memref_slice %arg9[%add3A_12, %dma_wait3A_149] : memref<128x32xf32, #tpu.memory_space<hbm>> -> memref<1x32xf32, #tpu.memory_space<hbm>>
      %dma_wait3A_151 = tpu.memref_squeeze %dma_wait3A_150 : memref<1x32xf32, #tpu.memory_space<hbm>> -> memref<32xf32, #tpu.memory_space<hbm>>
      %dma_wait3A_152 = arith.constant 0 : i32
      %dma_wait3A_153 = tpu.memref_slice %arg9[%add3A_12, %dma_wait3A_152] : memref<128x32xf32, #tpu.memory_space<hbm>> -> memref<1x32xf32, #tpu.memory_space<hbm>>
      %dma_wait3A_154 = tpu.memref_squeeze %dma_wait3A_153 : memref<1x32xf32, #tpu.memory_space<hbm>> -> memref<32xf32, #tpu.memory_space<hbm>>
      tpu.wait_dma2 semaphore(%arg24 : memref<!tpu.dma_semaphore, #tpu.memory_space<semaphore_mem>>) src(%dma_wait3A_154 : memref<32xf32, #tpu.memory_space<hbm>>) dst(%arg14 : memref<32xf32, #tpu.memory_space<vmem>>)
      %parallel_loop3A = arith.constant 0 : i32
      %parallel_loop3A_155 = arith.constant 64 : i32
      %parallel_loop3A_156 = arith.constant 1 : i32
      scf.for %parallel_loop3A_300 = %parallel_loop3A to %parallel_loop3A_155 step %parallel_loop3A_156  : i32 {
        %parallel_loop3A_301 = arith.constant 32 : i32
        %parallel_loop3A_302 = arith.cmpi slt, %parallel_loop3A_300, %parallel_loop3A_301 : i32
        %parallel_loop3A_303 = arith.constant 0 : i32
        %parallel_loop3A_304 = arith.constant 512 : i32
        %parallel_loop3A_305 = arith.select %parallel_loop3A_302, %parallel_loop3A_303, %parallel_loop3A_304 : i32
        %parallel_loop3A_306 = arith.constant 16 : i32
        %parallel_loop3A_307 = arith.muli %parallel_loop3A_300, %parallel_loop3A_306 : i32
        %parallel_loop3A_308 = arith.index_cast %parallel_loop3A_307 : i32 to index
        %parallel_loop3A_309 = tpu.vector_load %arg13[%parallel_loop3A_308] {strides = array<i32>} : memref<1024xi32, #tpu.memory_space<vmem>>, vector<16xi32>,
        %parallel_loop3A_310 = vector.broadcast %parallel_loop3A_305 : i32 to vector<16xi32>
        %parallel_loop3A_311 = arith.addi %parallel_loop3A_309, %parallel_loop3A_310 : vector<16xi32>
        %parallel_loop3A_312 = arith.constant 16 : i32
        %parallel_loop3A_313 = arith.muli %parallel_loop3A_300, %parallel_loop3A_312 : i32
        %parallel_loop3A_314 = vector.broadcast %parallel_loop3A_313 : i32 to vector<16xi32>
        %parallel_loop3A_315 = arith.addi %iota3A, %parallel_loop3A_314 : vector<16xi32>
        tpu.vector_store_idx %arg16[%parallel_loop3A_311], %parallel_loop3A_315 : memref<1024xi32, #tpu.memory_space<vmem>>[vector<16xi32>], vector<16xi32>,
      } {sc.loop_unroll_factor = 4 : i64, sc.parallel_access}
      %get3A = arith.constant 0 : index
      %get3A_157 = tpu.vector_load %arg14[%get3A] {strides = array<i32>} : memref<32xf32, #tpu.memory_space<vmem>>, vector<16xf32>,
      %mul3A_158 = arith.constant 1.000000e-01 : f32
      %mul3A_159 = vector.broadcast %mul3A_158 : f32 to vector<16xf32>
      %mul3A_160 = arith.mulf %get3A_157, %mul3A_159 : vector<16xf32>
      %bitcast_convert_type3A = tpu.bitcast %mul3A_160 : vector<16xf32> -> vector<16xi32>
      %shift_right_arithmetic3A = arith.constant 1 : i32
      %shift_right_arithmetic3A_161 = vector.broadcast %shift_right_arithmetic3A : i32 to vector<16xi32>
      %shift_right_arithmetic3A_162 = arith.shrsi %bitcast_convert_type3A, %shift_right_arithmetic3A_161 : vector<16xi32>
      %sub3A = arith.constant 1597463007 : i32
      %sub3A_163 = vector.broadcast %sub3A : i32 to vector<16xi32>
      %sub3A_164 = arith.subi %sub3A_163, %shift_right_arithmetic3A_162 : vector<16xi32>
      %bitcast_convert_type3A_165 = tpu.bitcast %sub3A_164 : vector<16xi32> -> vector<16xf32>
      %mul3A_166 = arith.constant 5.000000e-01 : f32
      %mul3A_167 = vector.broadcast %mul3A_166 : f32 to vector<16xf32>
      %mul3A_168 = arith.mulf %mul3A_167, %mul3A_160 : vector<16xf32>
      %mul3A_169 = arith.mulf %mul3A_168, %bitcast_convert_type3A_165 : vector<16xf32>
      %mul3A_170 = arith.mulf %mul3A_169, %bitcast_convert_type3A_165 : vector<16xf32>
      %sub3A_171 = arith.constant 1.500000e+00 : f32
      %sub3A_172 = vector.broadcast %sub3A_171 : f32 to vector<16xf32>
      %sub3A_173 = arith.subf %sub3A_172, %mul3A_170 : vector<16xf32>
      %mul3A_174 = arith.mulf %bitcast_convert_type3A_165, %sub3A_173 : vector<16xf32>
      %mul3A_175 = arith.constant 5.000000e-01 : f32
      %mul3A_176 = vector.broadcast %mul3A_175 : f32 to vector<16xf32>
      %mul3A_177 = arith.mulf %mul3A_176, %mul3A_160 : vector<16xf32>
      %mul3A_178 = arith.mulf %mul3A_177, %mul3A_174 : vector<16xf32>
      %mul3A_179 = arith.mulf %mul3A_178, %mul3A_174 : vector<16xf32>
      %sub3A_180 = arith.constant 1.500000e+00 : f32
      %sub3A_181 = vector.broadcast %sub3A_180 : f32 to vector<16xf32>
      %sub3A_182 = arith.subf %sub3A_181, %mul3A_179 : vector<16xf32>
      %mul3A_183 = arith.mulf %mul3A_174, %sub3A_182 : vector<16xf32>
      %mul3A_184 = arith.constant 5.000000e-01 : f32
      %mul3A_185 = vector.broadcast %mul3A_184 : f32 to vector<16xf32>
      %mul3A_186 = arith.mulf %mul3A_185, %mul3A_160 : vector<16xf32>
      %mul3A_187 = arith.mulf %mul3A_186, %mul3A_183 : vector<16xf32>
      %mul3A_188 = arith.mulf %mul3A_187, %mul3A_183 : vector<16xf32>
      %sub3A_189 = arith.constant 1.500000e+00 : f32
      %sub3A_190 = vector.broadcast %sub3A_189 : f32 to vector<16xf32>
      %sub3A_191 = arith.subf %sub3A_190, %mul3A_188 : vector<16xf32>
      %mul3A_192 = arith.mulf %mul3A_183, %sub3A_191 : vector<16xf32>
      %mul3A_193 = arith.mulf %mul3A_160, %mul3A_192 : vector<16xf32>
      %mul3A_194 = arith.constant 1.000000e+00 : f32
      %mul3A_195 = vector.broadcast %mul3A_194 : f32 to vector<16xf32>
      %mul3A_196 = arith.mulf %mul3A_193, %mul3A_195 : vector<16xf32>
      %get3A_197 = arith.constant 16 : index
      %get3A_198 = tpu.vector_load %arg14[%get3A_197] {strides = array<i32>} : memref<32xf32, #tpu.memory_space<vmem>>, vector<16xf32>,
      %mul3A_199 = arith.constant 0.899999976 : f32
      %mul3A_200 = vector.broadcast %mul3A_199 : f32 to vector<16xf32>
      %mul3A_201 = arith.mulf %get3A_198, %mul3A_200 : vector<16xf32>
      %bitcast_convert_type3A_202 = tpu.bitcast %mul3A_201 : vector<16xf32> -> vector<16xi32>
      %shift_right_arithmetic3A_203 = arith.constant 1 : i32
      %shift_right_arithmetic3A_204 = vector.broadcast %shift_right_arithmetic3A_203 : i32 to vector<16xi32>
      %shift_right_arithmetic3A_205 = arith.shrsi %bitcast_convert_type3A_202, %shift_right_arithmetic3A_204 : vector<16xi32>
      %sub3A_206 = arith.constant 1597463007 : i32
      %sub3A_207 = vector.broadcast %sub3A_206 : i32 to vector<16xi32>
      %sub3A_208 = arith.subi %sub3A_207, %shift_right_arithmetic3A_205 : vector<16xi32>
      %bitcast_convert_type3A_209 = tpu.bitcast %sub3A_208 : vector<16xi32> -> vector<16xf32>
      %mul3A_210 = arith.constant 5.000000e-01 : f32
      %mul3A_211 = vector.broadcast %mul3A_210 : f32 to vector<16xf32>
      %mul3A_212 = arith.mulf %mul3A_211, %mul3A_201 : vector<16xf32>
      %mul3A_213 = arith.mulf %mul3A_212, %bitcast_convert_type3A_209 : vector<16xf32>
      %mul3A_214 = arith.mulf %mul3A_213, %bitcast_convert_type3A_209 : vector<16xf32>
      %sub3A_215 = arith.constant 1.500000e+00 : f32
      %sub3A_216 = vector.broadcast %sub3A_215 : f32 to vector<16xf32>
      %sub3A_217 = arith.subf %sub3A_216, %mul3A_214 : vector<16xf32>
      %mul3A_218 = arith.mulf %bitcast_convert_type3A_209, %sub3A_217 : vector<16xf32>
      %mul3A_219 = arith.constant 5.000000e-01 : f32
      %mul3A_220 = vector.broadcast %mul3A_219 : f32 to vector<16xf32>
      %mul3A_221 = arith.mulf %mul3A_220, %mul3A_201 : vector<16xf32>
      %mul3A_222 = arith.mulf %mul3A_221, %mul3A_218 : vector<16xf32>
      %mul3A_223 = arith.mulf %mul3A_222, %mul3A_218 : vector<16xf32>
      %sub3A_224 = arith.constant 1.500000e+00 : f32
      %sub3A_225 = vector.broadcast %sub3A_224 : f32 to vector<16xf32>
      %sub3A_226 = arith.subf %sub3A_225, %mul3A_223 : vector<16xf32>
      %mul3A_227 = arith.mulf %mul3A_218, %sub3A_226 : vector<16xf32>
      %mul3A_228 = arith.constant 5.000000e-01 : f32
      %mul3A_229 = vector.broadcast %mul3A_228 : f32 to vector<16xf32>
      %mul3A_230 = arith.mulf %mul3A_229, %mul3A_201 : vector<16xf32>
      %mul3A_231 = arith.mulf %mul3A_230, %mul3A_227 : vector<16xf32>
      %mul3A_232 = arith.mulf %mul3A_231, %mul3A_227 : vector<16xf32>
      %sub3A_233 = arith.constant 1.500000e+00 : f32
      %sub3A_234 = vector.broadcast %sub3A_233 : f32 to vector<16xf32>
      %sub3A_235 = arith.subf %sub3A_234, %mul3A_232 : vector<16xf32>
      %mul3A_236 = arith.mulf %mul3A_227, %sub3A_235 : vector<16xf32>
      %mul3A_237 = arith.mulf %mul3A_201, %mul3A_236 : vector<16xf32>
      %mul3A_238 = arith.constant 1.000000e+00 : f32
      %mul3A_239 = vector.broadcast %mul3A_238 : f32 to vector<16xf32>
      %mul3A_240 = arith.mulf %mul3A_237, %mul3A_239 : vector<16xf32>
      %parallel_loop3A_241 = arith.constant 0 : i32
      %parallel_loop3A_242 = arith.constant 64 : i32
      %parallel_loop3A_243 = arith.constant 1 : i32
      scf.for %parallel_loop3A_300 = %parallel_loop3A_241 to %parallel_loop3A_242 step %parallel_loop3A_243  : i32 {
        %parallel_loop3A_301 = arith.constant 16 : i32
        %parallel_loop3A_302 = arith.muli %parallel_loop3A_300, %parallel_loop3A_301 : i32
        %parallel_loop3A_303 = arith.index_cast %parallel_loop3A_302 : i32 to index
        %parallel_loop3A_304 = tpu.vector_load %arg16[%parallel_loop3A_303] {strides = array<i32>} : memref<1024xi32, #tpu.memory_space<vmem>>, vector<16xi32>,
        %parallel_loop3A_305 = arith.addi %parallel_loop3A_304, %parallel_loop3A_304 : vector<16xi32>
        %parallel_loop3A_306 = tpu.vector_load_idx %arg11[%parallel_loop3A_305] : memref<2048xf32, #tpu.memory_space<vmem>>[vector<16xi32>], vector<16xf32>,
        %parallel_loop3A_307 = arith.addi %parallel_loop3A_304, %parallel_loop3A_304 : vector<16xi32>
        %parallel_loop3A_308 = arith.constant 1 : i32
        %parallel_loop3A_309 = vector.broadcast %parallel_loop3A_308 : i32 to vector<16xi32>
        %parallel_loop3A_310 = arith.addi %parallel_loop3A_307, %parallel_loop3A_309 : vector<16xi32>
        %parallel_loop3A_311 = tpu.vector_load_idx %arg11[%parallel_loop3A_310] : memref<2048xf32, #tpu.memory_space<vmem>>[vector<16xi32>], vector<16xf32>,
        %parallel_loop3A_312 = tpu.vector_load_idx %arg12[%parallel_loop3A_304] : memref<1024xi32, #tpu.memory_space<vmem>>[vector<16xi32>], vector<16xi32>,
        %parallel_loop3A_313 = arith.mulf %parallel_loop3A_306, %mul3A_196 : vector<16xf32>
        %parallel_loop3A_314 = arith.mulf %parallel_loop3A_311, %mul3A_240 : vector<16xf32>
        %parallel_loop3A_315 = arith.index_cast %parallel_loop3A_302 : i32 to index
        %parallel_loop3A_316 = tpu.vector_load %arg17[%parallel_loop3A_315] {strides = array<i32>} : memref<1024xf32, #tpu.memory_space<vmem>>, vector<16xf32>,
        tpu.vector_store %arg17[%parallel_loop3A_315], %parallel_loop3A_313 {strides = array<i32>} : memref<1024xf32, #tpu.memory_space<vmem>>, vector<16xf32>,
        %parallel_loop3A_317 = arith.index_cast %parallel_loop3A_302 : i32 to index
        %parallel_loop3A_318 = tpu.vector_load %arg18[%parallel_loop3A_317] {strides = array<i32>} : memref<1024xf32, #tpu.memory_space<vmem>>, vector<16xf32>,
        tpu.vector_store %arg18[%parallel_loop3A_317], %parallel_loop3A_314 {strides = array<i32>} : memref<1024xf32, #tpu.memory_space<vmem>>, vector<16xf32>,
        %parallel_loop3A_319 = arith.constant -2.000000e+00 : f32
        %parallel_loop3A_320 = vector.broadcast %parallel_loop3A_319 : f32 to vector<16xf32>
        %parallel_loop3A_321 = arith.mulf %parallel_loop3A_313, %parallel_loop3A_320 : vector<16xf32>
        %parallel_loop3A_322 = arith.index_cast %parallel_loop3A_302 : i32 to index
        %parallel_loop3A_323 = tpu.vector_load %arg19[%parallel_loop3A_322] {strides = array<i32>} : memref<1024xf32, #tpu.memory_space<vmem>>, vector<16xf32>,
        tpu.vector_store %arg19[%parallel_loop3A_322], %parallel_loop3A_321 {strides = array<i32>} : memref<1024xf32, #tpu.memory_space<vmem>>, vector<16xf32>,
        %parallel_loop3A_324 = arith.constant -2.000000e+00 : f32
        %parallel_loop3A_325 = vector.broadcast %parallel_loop3A_324 : f32 to vector<16xf32>
        %parallel_loop3A_326 = arith.mulf %parallel_loop3A_314, %parallel_loop3A_325 : vector<16xf32>
        %parallel_loop3A_327 = arith.index_cast %parallel_loop3A_302 : i32 to index
        %parallel_loop3A_328 = tpu.vector_load %arg20[%parallel_loop3A_327] {strides = array<i32>} : memref<1024xf32, #tpu.memory_space<vmem>>, vector<16xf32>,
        tpu.vector_store %arg20[%parallel_loop3A_327], %parallel_loop3A_326 {strides = array<i32>} : memref<1024xf32, #tpu.memory_space<vmem>>, vector<16xf32>,
        %parallel_loop3A_329 = arith.mulf %parallel_loop3A_313, %parallel_loop3A_313 : vector<16xf32>
        %parallel_loop3A_330 = arith.mulf %parallel_loop3A_314, %parallel_loop3A_314 : vector<16xf32>
        %parallel_loop3A_331 = arith.addf %parallel_loop3A_329, %parallel_loop3A_330 : vector<16xf32>
        %parallel_loop3A_332 = arith.index_cast %parallel_loop3A_302 : i32 to index
        %parallel_loop3A_333 = tpu.vector_load %arg21[%parallel_loop3A_332] {strides = array<i32>} : memref<1024xf32, #tpu.memory_space<vmem>>, vector<16xf32>,
        tpu.vector_store %arg21[%parallel_loop3A_332], %parallel_loop3A_331 {strides = array<i32>} : memref<1024xf32, #tpu.memory_space<vmem>>, vector<16xf32>,
        %parallel_loop3A_334 = arith.sitofp %parallel_loop3A_312 : vector<16xi32> to vector<16xf32>
        %parallel_loop3A_335 = arith.index_cast %parallel_loop3A_302 : i32 to index
        %parallel_loop3A_336 = tpu.vector_load %arg22[%parallel_loop3A_335] {strides = array<i32>} : memref<1024xf32, #tpu.memory_space<vmem>>, vector<16xf32>,
        tpu.vector_store %arg22[%parallel_loop3A_335], %parallel_loop3A_334 {strides = array<i32>} : memref<1024xf32, #tpu.memory_space<vmem>>, vector<16xf32>,
      } {sc.loop_unroll_factor = 2 : i64, sc.parallel_access}
      %broadcast_in_dim3A_244 = arith.constant 0.000000e+00 : f32
      %broadcast_in_dim3A_245 = vector.broadcast %broadcast_in_dim3A_244 : f32 to vector<16xf32>
      %parallel_loop3A_246 = arith.constant 0 : i32
      %parallel_loop3A_247 = arith.constant 64 : i32
      %parallel_loop3A_248 = arith.constant 1 : i32
      %parallel_loop3A_249 = scf.for %parallel_loop3A_300 = %parallel_loop3A_246 to %parallel_loop3A_247 step %parallel_loop3A_248 iter_args(%parallel_loop3A_301 = %broadcast_in_dim3A_245) -> (vector<16xf32>)  : i32 {
        %parallel_loop3A_302 = arith.constant 16 : i32
        %parallel_loop3A_303 = arith.muli %parallel_loop3A_300, %parallel_loop3A_302 : i32
        %parallel_loop3A_304 = arith.index_cast %parallel_loop3A_303 : i32 to index
        %parallel_loop3A_305 = tpu.vector_load %arg22[%parallel_loop3A_304] {strides = array<i32>} : memref<1024xf32, #tpu.memory_space<vmem>>, vector<16xf32>,
        %parallel_loop3A_306 = arith.addf %parallel_loop3A_301, %parallel_loop3A_305 : vector<16xf32>
        scf.yield %parallel_loop3A_306 : vector<16xf32>
      } {sc.loop_unroll_factor = 4 : i64, sc.parallel_access}
      %reduce_sum3A = arith.constant true
      %reduce_sum3A_250 = vector.broadcast %reduce_sum3A : i1 to vector<16xi1>
      %reduce_sum3A_251 = tpu.scan <sum>, %parallel_loop3A_249 masked %reduce_sum3A_250 : vector<16xf32>, vector<16xi1> -> vector<16xf32>
      %reduce_sum3A_252 = vector.extract %reduce_sum3A_251[15] : f32 from vector<16xf32>
      %mul3A_253 = arith.constant 1.600000e+01 : f32
      %mul3A_254 = arith.mulf %mul3A_253, %reduce_sum3A_252 : f32
      %add3A_255 = arith.constant 4.096000e+03 : f32
      %add3A_256 = arith.addf %add3A_255, %mul3A_254 : f32
      %broadcast_in_dim3A_257 = arith.constant 0.000000e+00 : f32
      %broadcast_in_dim3A_258 = vector.broadcast %broadcast_in_dim3A_257 : f32 to vector<16xf32>
      %scan3A_259 = arith.constant 0 : i32
      %scan3A_260 = arith.constant 2 : i32
      %scan3A_261 = arith.addi %scan3A_259, %scan3A_260 : i32
      %scan3A_262 = arith.constant 1 : i32
      %scan3A_263 = scf.for %scan3A_300 = %scan3A_259 to %scan3A_261 step %scan3A_262 iter_args(%scan3A_301 = %broadcast_in_dim3A_258) -> (vector<16xf32>)  : i32 {
        %mul3A_302 = arith.constant 512 : i32
        %mul3A_303 = arith.muli %scan3A_300, %mul3A_302 : i32
        %sub3A_304 = arith.constant 512 : i32
        %sub3A_305 = arith.subi %sub3A_304, %mul3A_303 : i32
        %mul3A_306 = arith.constant 512 : i32
        %mul3A_307 = arith.muli %scan3A_300, %mul3A_306 : i32
        %mul3A_308 = arith.constant 144 : i32
        %mul3A_309 = arith.muli %scan3A_300, %mul3A_308 : i32
        %scan3A_310 = arith.constant 0 : i32
        %scan3A_311 = arith.constant 8 : i32
        %scan3A_312 = arith.addi %scan3A_310, %scan3A_311 : i32
        %scan3A_313 = arith.constant 1 : i32
        %scan3A_314 = scf.for %scan3A_316 = %scan3A_310 to %scan3A_312 step %scan3A_313 iter_args(%scan3A_317 = %scan3A_301) -> (vector<16xf32>)  : i32 {
          %mul3A_318 = arith.constant 64 : i32
          %mul3A_319 = arith.muli %scan3A_316, %mul3A_318 : i32
          %add3A_320 = arith.addi %sub3A_305, %mul3A_319 : i32
          %add3A_321 = arith.constant 0 : i32
          %add3A_322 = arith.addi %add3A_320, %add3A_321 : i32
          %get3A_323 = arith.index_cast %add3A_322 : i32 to index
          %get3A_324 = tpu.vector_load %arg17[%get3A_323] {strides = array<i32>} : memref<1024xf32, #tpu.memory_space<vmem>>, vector<16xf32>,
          %add3A_325 = arith.constant 16 : i32
          %add3A_326 = arith.addi %add3A_320, %add3A_325 : i32
          %get3A_327 = arith.index_cast %add3A_326 : i32 to index
          %get3A_328 = tpu.vector_load %arg17[%get3A_327] {strides = array<i32>} : memref<1024xf32, #tpu.memory_space<vmem>>, vector<16xf32>,
          %add3A_329 = arith.constant 32 : i32
          %add3A_330 = arith.addi %add3A_320, %add3A_329 : i32
          %get3A_331 = arith.index_cast %add3A_330 : i32 to index
          %get3A_332 = tpu.vector_load %arg17[%get3A_331] {strides = array<i32>} : memref<1024xf32, #tpu.memory_space<vmem>>, vector<16xf32>,
          %add3A_333 = arith.constant 48 : i32
          %add3A_334 = arith.addi %add3A_320, %add3A_333 : i32
          %get3A_335 = arith.index_cast %add3A_334 : i32 to index
          %get3A_336 = tpu.vector_load %arg17[%get3A_335] {strides = array<i32>} : memref<1024xf32, #tpu.memory_space<vmem>>, vector<16xf32>,
          %add3A_337 = arith.constant 0 : i32
          %add3A_338 = arith.addi %add3A_320, %add3A_337 : i32
          %get3A_339 = arith.index_cast %add3A_338 : i32 to index
          %get3A_340 = tpu.vector_load %arg18[%get3A_339] {strides = array<i32>} : memref<1024xf32, #tpu.memory_space<vmem>>, vector<16xf32>,
          %add3A_341 = arith.constant 16 : i32
          %add3A_342 = arith.addi %add3A_320, %add3A_341 : i32
          %get3A_343 = arith.index_cast %add3A_342 : i32 to index
          %get3A_344 = tpu.vector_load %arg18[%get3A_343] {strides = array<i32>} : memref<1024xf32, #tpu.memory_space<vmem>>, vector<16xf32>,
          %add3A_345 = arith.constant 32 : i32
          %add3A_346 = arith.addi %add3A_320, %add3A_345 : i32
          %get3A_347 = arith.index_cast %add3A_346 : i32 to index
          %get3A_348 = tpu.vector_load %arg18[%get3A_347] {strides = array<i32>} : memref<1024xf32, #tpu.memory_space<vmem>>, vector<16xf32>,
          %add3A_349 = arith.constant 48 : i32
          %add3A_350 = arith.addi %add3A_320, %add3A_349 : i32
          %get3A_351 = arith.index_cast %add3A_350 : i32 to index
          %get3A_352 = tpu.vector_load %arg18[%get3A_351] {strides = array<i32>} : memref<1024xf32, #tpu.memory_space<vmem>>, vector<16xf32>,
          %add3A_353 = arith.constant 0 : i32
          %add3A_354 = arith.addi %add3A_320, %add3A_353 : i32
          %get3A_355 = arith.index_cast %add3A_354 : i32 to index
          %get3A_356 = tpu.vector_load %arg22[%get3A_355] {strides = array<i32>} : memref<1024xf32, #tpu.memory_space<vmem>>, vector<16xf32>,
          %add3A_357 = arith.constant 16 : i32
          %add3A_358 = arith.addi %add3A_320, %add3A_357 : i32
          %get3A_359 = arith.index_cast %add3A_358 : i32 to index
          %get3A_360 = tpu.vector_load %arg22[%get3A_359] {strides = array<i32>} : memref<1024xf32, #tpu.memory_space<vmem>>, vector<16xf32>,
          %add3A_361 = arith.constant 32 : i32
          %add3A_362 = arith.addi %add3A_320, %add3A_361 : i32
          %get3A_363 = arith.index_cast %add3A_362 : i32 to index
          %get3A_364 = tpu.vector_load %arg22[%get3A_363] {strides = array<i32>} : memref<1024xf32, #tpu.memory_space<vmem>>, vector<16xf32>,
          %add3A_365 = arith.constant 48 : i32
          %add3A_366 = arith.addi %add3A_320, %add3A_365 : i32
          %get3A_367 = arith.index_cast %add3A_366 : i32 to index
          %get3A_368 = tpu.vector_load %arg22[%get3A_367] {strides = array<i32>} : memref<1024xf32, #tpu.memory_space<vmem>>, vector<16xf32>,
          %add3A_369 = arith.constant 0 : i32
          %add3A_370 = arith.addi %add3A_320, %add3A_369 : i32
          %get3A_371 = arith.index_cast %add3A_370 : i32 to index
          %get3A_372 = tpu.vector_load %arg21[%get3A_371] {strides = array<i32>} : memref<1024xf32, #tpu.memory_space<vmem>>, vector<16xf32>,
          %add3A_373 = arith.constant 16 : i32
          %add3A_374 = arith.addi %add3A_320, %add3A_373 : i32
          %get3A_375 = arith.index_cast %add3A_374 : i32 to index
          %get3A_376 = tpu.vector_load %arg21[%get3A_375] {strides = array<i32>} : memref<1024xf32, #tpu.memory_space<vmem>>, vector<16xf32>,
          %add3A_377 = arith.constant 32 : i32
          %add3A_378 = arith.addi %add3A_320, %add3A_377 : i32
          %get3A_379 = arith.index_cast %add3A_378 : i32 to index
          %get3A_380 = tpu.vector_load %arg21[%get3A_379] {strides = array<i32>} : memref<1024xf32, #tpu.memory_space<vmem>>, vector<16xf32>,
          %add3A_381 = arith.constant 48 : i32
          %add3A_382 = arith.addi %add3A_320, %add3A_381 : i32
          %get3A_383 = arith.index_cast %add3A_382 : i32 to index
          %get3A_384 = tpu.vector_load %arg21[%get3A_383] {strides = array<i32>} : memref<1024xf32, #tpu.memory_space<vmem>>, vector<16xf32>,
          %mul3A_385 = arith.constant 8.000000e+00 : f32
          %mul3A_386 = vector.broadcast %mul3A_385 : f32 to vector<16xf32>
          %mul3A_387 = arith.mulf %mul3A_386, %get3A_356 : vector<16xf32>
          %add3A_388 = arith.constant 4.000000e+00 : f32
          %add3A_389 = vector.broadcast %add3A_388 : f32 to vector<16xf32>
          %add3A_390 = arith.addf %add3A_389, %mul3A_387 : vector<16xf32>
          %mul3A_391 = arith.constant 8.000000e+00 : f32
          %mul3A_392 = vector.broadcast %mul3A_391 : f32 to vector<16xf32>
          %mul3A_393 = arith.mulf %mul3A_392, %get3A_360 : vector<16xf32>
          %add3A_394 = arith.constant 4.000000e+00 : f32
          %add3A_395 = vector.broadcast %add3A_394 : f32 to vector<16xf32>
          %add3A_396 = arith.addf %add3A_395, %mul3A_393 : vector<16xf32>
          %mul3A_397 = arith.constant 8.000000e+00 : f32
          %mul3A_398 = vector.broadcast %mul3A_397 : f32 to vector<16xf32>
          %mul3A_399 = arith.mulf %mul3A_398, %get3A_364 : vector<16xf32>
          %add3A_400 = arith.constant 4.000000e+00 : f32
          %add3A_401 = vector.broadcast %add3A_400 : f32 to vector<16xf32>
          %add3A_402 = arith.addf %add3A_401, %mul3A_399 : vector<16xf32>
          %mul3A_403 = arith.constant 8.000000e+00 : f32
          %mul3A_404 = vector.broadcast %mul3A_403 : f32 to vector<16xf32>
          %mul3A_405 = arith.mulf %mul3A_404, %get3A_368 : vector<16xf32>
          %add3A_406 = arith.constant 4.000000e+00 : f32
          %add3A_407 = vector.broadcast %add3A_406 : f32 to vector<16xf32>
          %add3A_408 = arith.addf %add3A_407, %mul3A_405 : vector<16xf32>
          %min3A = arith.minimumf %get3A_356, %get3A_360 : vector<16xf32>
          %max3A = arith.maximumf %get3A_356, %get3A_360 : vector<16xf32>
          %min3A_409 = arith.minimumf %min3A, %get3A_364 : vector<16xf32>
          %max3A_410 = arith.maximumf %max3A, %get3A_364 : vector<16xf32>
          %min3A_411 = arith.minimumf %min3A_409, %get3A_368 : vector<16xf32>
          %max3A_412 = arith.maximumf %max3A_410, %get3A_368 : vector<16xf32>
          %reduce_min3A = arith.constant true
          %reduce_min3A_413 = vector.broadcast %reduce_min3A : i1 to vector<16xi1>
          %reduce_min3A_414 = tpu.scan <min>, %min3A_411 masked %reduce_min3A_413 : vector<16xf32>, vector<16xi1> -> vector<16xf32>
          %reduce_min3A_415 = vector.extract %reduce_min3A_414[15] : f32 from vector<16xf32>
          %reduce_max3A = arith.constant true
          %reduce_max3A_416 = vector.broadcast %reduce_max3A : i1 to vector<16xi1>
          %reduce_max3A_417 = tpu.scan <max>, %max3A_412 masked %reduce_max3A_416 : vector<16xf32>, vector<16xi1> -> vector<16xf32>
          %reduce_max3A_418 = vector.extract %reduce_max3A_417[15] : f32 from vector<16xf32>
          %convert_element_type3A = arith.fptosi %reduce_min3A_415 : f32 to i32
          %convert_element_type3A_419 = arith.fptosi %reduce_max3A_418 : f32 to i32
          %add3A_420 = arith.constant 1 : i32
          %add3A_421 = arith.addi %convert_element_type3A_419, %add3A_420 : i32
          %while3A = arith.subi %add3A_421, %convert_element_type3A : i32
          %while3A_422 = arith.addi %convert_element_type3A, %while3A : i32
          %while3A_423 = arith.constant 1 : i32
          %while3A_424 = arith.divsi %while3A, %while3A_423 : i32
          %while3A_425 = arith.muli %while3A_424, %while3A_423 : i32
          %while3A_426 = arith.addi %convert_element_type3A, %while3A_425 : i32
          %while3A_427 = arith.constant 1 : i32
          %while3A_428:4 = scf.for %while3A_446 = %convert_element_type3A to %while3A_426 step %while3A_427 iter_args(%while3A_447 = %add3A_390, %while3A_448 = %add3A_396, %while3A_449 = %add3A_402, %while3A_450 = %add3A_408) -> (vector<16xf32>, vector<16xf32>, vector<16xf32>, vector<16xf32>)  : i32 {
            %mul3A_451 = arith.constant 16 : i32
            %mul3A_452 = arith.muli %while3A_446, %mul3A_451 : i32
            %add3A_453 = arith.addi %mul3A_309, %mul3A_452 : i32
            %get3A_454 = arith.index_cast %add3A_453 : i32 to index
            %get3A_455 = tpu.vector_load %arg15[%get3A_454] {strides = array<i32>} : memref<288xi32, #tpu.memory_space<vmem>>, vector<16xi32>,
            %slice3A = vector.extract_strided_slice %get3A_455 {offsets = [0], sizes = [1], strides = [1]} : vector<16xi32> to vector<1xi32>
            %squeeze3A = vector.extract %slice3A[0] : i32 from vector<1xi32>
            %mul3A_456 = arith.constant 16 : i32
            %mul3A_457 = arith.muli %while3A_446, %mul3A_456 : i32
            %add3A_458 = arith.addi %mul3A_309, %mul3A_457 : i32
            %add3A_459 = arith.constant 16 : i32
            %add3A_460 = arith.addi %add3A_458, %add3A_459 : i32
            %get3A_461 = arith.index_cast %add3A_460 : i32 to index
            %get3A_462 = tpu.vector_load %arg15[%get3A_461] {strides = array<i32>} : memref<288xi32, #tpu.memory_space<vmem>>, vector<16xi32>,
            %slice3A_463 = vector.extract_strided_slice %get3A_462 {offsets = [0], sizes = [1], strides = [1]} : vector<16xi32> to vector<1xi32>
            %squeeze3A_464 = vector.extract %slice3A_463[0] : i32 from vector<1xi32>
            %jit3A = arith.constant true
            %select_n3A_465 = arith.select %jit3A, %squeeze3A_464, %squeeze3A : i32
            %broadcast_in_dim3A_466 = arith.constant 1.000000e+30 : f32
            %broadcast_in_dim3A_467 = vector.broadcast %broadcast_in_dim3A_466 : f32 to vector<16xf32>
            %broadcast_in_dim3A_468 = arith.constant 1.000000e+30 : f32
            %broadcast_in_dim3A_469 = vector.broadcast %broadcast_in_dim3A_468 : f32 to vector<16xf32>
            %broadcast_in_dim3A_470 = arith.constant 1.000000e+30 : f32
            %broadcast_in_dim3A_471 = vector.broadcast %broadcast_in_dim3A_470 : f32 to vector<16xf32>
            %broadcast_in_dim3A_472 = arith.constant 1.000000e+30 : f32
            %broadcast_in_dim3A_473 = vector.broadcast %broadcast_in_dim3A_472 : f32 to vector<16xf32>
            %parallel_loop3A_474 = arith.constant 1 : i32
            %parallel_loop3A_475:4 = scf.for %parallel_loop3A_680 = %squeeze3A to %select_n3A_465 step %parallel_loop3A_474 iter_args(%parallel_loop3A_681 = %broadcast_in_dim3A_467, %parallel_loop3A_682 = %broadcast_in_dim3A_469, %parallel_loop3A_683 = %broadcast_in_dim3A_471, %parallel_loop3A_684 = %broadcast_in_dim3A_473) -> (vector<16xf32>, vector<16xf32>, vector<16xf32>, vector<16xf32>)  : i32 {
              %parallel_loop3A_685 = arith.addi %parallel_loop3A_680, %mul3A_307 : i32
              %parallel_loop3A_686 = vector.broadcast %parallel_loop3A_685 : i32 to vector<16xi32>
              %parallel_loop3A_687 = tpu.vector_load_idx %arg19[%parallel_loop3A_686] : memref<1024xf32, #tpu.memory_space<vmem>>[vector<16xi32>], vector<16xf32>,
              %parallel_loop3A_688 = tpu.vector_load_idx %arg20[%parallel_loop3A_686] : memref<1024xf32, #tpu.memory_space<vmem>>[vector<16xi32>], vector<16xf32>,
              %parallel_loop3A_689 = tpu.vector_load_idx %arg21[%parallel_loop3A_686] : memref<1024xf32, #tpu.memory_space<vmem>>[vector<16xi32>], vector<16xf32>,
              %parallel_loop3A_690 = arith.mulf %get3A_324, %parallel_loop3A_687 : vector<16xf32>
              %parallel_loop3A_691 = arith.mulf %get3A_340, %parallel_loop3A_688 : vector<16xf32>
              %parallel_loop3A_692 = arith.addf %parallel_loop3A_690, %parallel_loop3A_691 : vector<16xf32>
              %parallel_loop3A_693 = arith.addf %parallel_loop3A_692, %parallel_loop3A_689 : vector<16xf32>
              %parallel_loop3A_694 = arith.minimumf %parallel_loop3A_681, %parallel_loop3A_693 : vector<16xf32>
              %parallel_loop3A_695 = arith.mulf %get3A_328, %parallel_loop3A_687 : vector<16xf32>
              %parallel_loop3A_696 = arith.mulf %get3A_344, %parallel_loop3A_688 : vector<16xf32>
              %parallel_loop3A_697 = arith.addf %parallel_loop3A_695, %parallel_loop3A_696 : vector<16xf32>
              %parallel_loop3A_698 = arith.addf %parallel_loop3A_697, %parallel_loop3A_689 : vector<16xf32>
              %parallel_loop3A_699 = arith.minimumf %parallel_loop3A_682, %parallel_loop3A_698 : vector<16xf32>
              %parallel_loop3A_700 = arith.mulf %get3A_332, %parallel_loop3A_687 : vector<16xf32>
              %parallel_loop3A_701 = arith.mulf %get3A_348, %parallel_loop3A_688 : vector<16xf32>
              %parallel_loop3A_702 = arith.addf %parallel_loop3A_700, %parallel_loop3A_701 : vector<16xf32>
              %parallel_loop3A_703 = arith.addf %parallel_loop3A_702, %parallel_loop3A_689 : vector<16xf32>
              %parallel_loop3A_704 = arith.minimumf %parallel_loop3A_683, %parallel_loop3A_703 : vector<16xf32>
              %parallel_loop3A_705 = arith.mulf %get3A_336, %parallel_loop3A_687 : vector<16xf32>
              %parallel_loop3A_706 = arith.mulf %get3A_352, %parallel_loop3A_688 : vector<16xf32>
              %parallel_loop3A_707 = arith.addf %parallel_loop3A_705, %parallel_loop3A_706 : vector<16xf32>
              %parallel_loop3A_708 = arith.addf %parallel_loop3A_707, %parallel_loop3A_689 : vector<16xf32>
              %parallel_loop3A_709 = arith.minimumf %parallel_loop3A_684, %parallel_loop3A_708 : vector<16xf32>
              scf.yield %parallel_loop3A_694, %parallel_loop3A_699, %parallel_loop3A_704, %parallel_loop3A_709 : vector<16xf32>, vector<16xf32>, vector<16xf32>, vector<16xf32>
            } {sc.loop_unroll_factor = 4 : i64, sc.parallel_access}
            %convert_element_type3A_476 = arith.sitofp %while3A_446 : i32 to f32
            %add3A_477 = arith.addf %parallel_loop3A_475#0, %get3A_372 : vector<16xf32>
            %max3A_478 = arith.constant 0.000000e+00 : f32
            %max3A_479 = vector.broadcast %max3A_478 : f32 to vector<16xf32>
            %max3A_480 = arith.maximumf %add3A_477, %max3A_479 : vector<16xf32>
            %bitcast_convert_type3A_481 = tpu.bitcast %max3A_480 : vector<16xf32> -> vector<16xi32>
            %shift_right_arithmetic3A_482 = arith.constant 1 : i32
            %shift_right_arithmetic3A_483 = vector.broadcast %shift_right_arithmetic3A_482 : i32 to vector<16xi32>
            %shift_right_arithmetic3A_484 = arith.shrsi %bitcast_convert_type3A_481, %shift_right_arithmetic3A_483 : vector<16xi32>
            %sub3A_485 = arith.constant 1597463007 : i32
            %sub3A_486 = vector.broadcast %sub3A_485 : i32 to vector<16xi32>
            %sub3A_487 = arith.subi %sub3A_486, %shift_right_arithmetic3A_484 : vector<16xi32>
            %bitcast_convert_type3A_488 = tpu.bitcast %sub3A_487 : vector<16xi32> -> vector<16xf32>
            %mul3A_489 = arith.constant 5.000000e-01 : f32
            %mul3A_490 = vector.broadcast %mul3A_489 : f32 to vector<16xf32>
            %mul3A_491 = arith.mulf %mul3A_490, %max3A_480 : vector<16xf32>
            %mul3A_492 = arith.mulf %mul3A_491, %bitcast_convert_type3A_488 : vector<16xf32>
            %mul3A_493 = arith.mulf %mul3A_492, %bitcast_convert_type3A_488 : vector<16xf32>
            %sub3A_494 = arith.constant 1.500000e+00 : f32
            %sub3A_495 = vector.broadcast %sub3A_494 : f32 to vector<16xf32>
            %sub3A_496 = arith.subf %sub3A_495, %mul3A_493 : vector<16xf32>
            %mul3A_497 = arith.mulf %bitcast_convert_type3A_488, %sub3A_496 : vector<16xf32>
            %mul3A_498 = arith.constant 5.000000e-01 : f32
            %mul3A_499 = vector.broadcast %mul3A_498 : f32 to vector<16xf32>
            %mul3A_500 = arith.mulf %mul3A_499, %max3A_480 : vector<16xf32>
            %mul3A_501 = arith.mulf %mul3A_500, %mul3A_497 : vector<16xf32>
            %mul3A_502 = arith.mulf %mul3A_501, %mul3A_497 : vector<16xf32>
            %sub3A_503 = arith.constant 1.500000e+00 : f32
            %sub3A_504 = vector.broadcast %sub3A_503 : f32 to vector<16xf32>
            %sub3A_505 = arith.subf %sub3A_504, %mul3A_502 : vector<16xf32>
            %mul3A_506 = arith.mulf %mul3A_497, %sub3A_505 : vector<16xf32>
            %mul3A_507 = arith.constant 5.000000e-01 : f32
            %mul3A_508 = vector.broadcast %mul3A_507 : f32 to vector<16xf32>
            %mul3A_509 = arith.mulf %mul3A_508, %max3A_480 : vector<16xf32>
            %mul3A_510 = arith.mulf %mul3A_509, %mul3A_506 : vector<16xf32>
            %mul3A_511 = arith.mulf %mul3A_510, %mul3A_506 : vector<16xf32>
            %sub3A_512 = arith.constant 1.500000e+00 : f32
            %sub3A_513 = vector.broadcast %sub3A_512 : f32 to vector<16xf32>
            %sub3A_514 = arith.subf %sub3A_513, %mul3A_511 : vector<16xf32>
            %mul3A_515 = arith.mulf %mul3A_506, %sub3A_514 : vector<16xf32>
            %mul3A_516 = arith.mulf %max3A_480, %mul3A_515 : vector<16xf32>
            %mul3A_517 = arith.constant 2.500000e-01 : f32
            %mul3A_518 = vector.broadcast %mul3A_517 : f32 to vector<16xf32>
            %mul3A_519 = arith.mulf %mul3A_516, %mul3A_518 : vector<16xf32>
            %sub3A_520 = vector.broadcast %convert_element_type3A_476 : f32 to vector<16xf32>
            %sub3A_521 = arith.subf %sub3A_520, %get3A_356 : vector<16xf32>
            %abs3A = math.absf %sub3A_521 : vector<16xf32>
            %mul3A_522 = arith.constant 4.000000e+00 : f32
            %mul3A_523 = vector.broadcast %mul3A_522 : f32 to vector<16xf32>
            %mul3A_524 = arith.mulf %mul3A_523, %abs3A : vector<16xf32>
            %add3A_525 = arith.addf %mul3A_519, %mul3A_524 : vector<16xf32>
            %min3A_526 = arith.minimumf %while3A_447, %add3A_525 : vector<16xf32>
            %add3A_527 = arith.addf %parallel_loop3A_475#1, %get3A_376 : vector<16xf32>
            %max3A_528 = arith.constant 0.000000e+00 : f32
            %max3A_529 = vector.broadcast %max3A_528 : f32 to vector<16xf32>
            %max3A_530 = arith.maximumf %add3A_527, %max3A_529 : vector<16xf32>
            %bitcast_convert_type3A_531 = tpu.bitcast %max3A_530 : vector<16xf32> -> vector<16xi32>
            %shift_right_arithmetic3A_532 = arith.constant 1 : i32
            %shift_right_arithmetic3A_533 = vector.broadcast %shift_right_arithmetic3A_532 : i32 to vector<16xi32>
            %shift_right_arithmetic3A_534 = arith.shrsi %bitcast_convert_type3A_531, %shift_right_arithmetic3A_533 : vector<16xi32>
            %sub3A_535 = arith.constant 1597463007 : i32
            %sub3A_536 = vector.broadcast %sub3A_535 : i32 to vector<16xi32>
            %sub3A_537 = arith.subi %sub3A_536, %shift_right_arithmetic3A_534 : vector<16xi32>
            %bitcast_convert_type3A_538 = tpu.bitcast %sub3A_537 : vector<16xi32> -> vector<16xf32>
            %mul3A_539 = arith.constant 5.000000e-01 : f32
            %mul3A_540 = vector.broadcast %mul3A_539 : f32 to vector<16xf32>
            %mul3A_541 = arith.mulf %mul3A_540, %max3A_530 : vector<16xf32>
            %mul3A_542 = arith.mulf %mul3A_541, %bitcast_convert_type3A_538 : vector<16xf32>
            %mul3A_543 = arith.mulf %mul3A_542, %bitcast_convert_type3A_538 : vector<16xf32>
            %sub3A_544 = arith.constant 1.500000e+00 : f32
            %sub3A_545 = vector.broadcast %sub3A_544 : f32 to vector<16xf32>
            %sub3A_546 = arith.subf %sub3A_545, %mul3A_543 : vector<16xf32>
            %mul3A_547 = arith.mulf %bitcast_convert_type3A_538, %sub3A_546 : vector<16xf32>
            %mul3A_548 = arith.constant 5.000000e-01 : f32
            %mul3A_549 = vector.broadcast %mul3A_548 : f32 to vector<16xf32>
            %mul3A_550 = arith.mulf %mul3A_549, %max3A_530 : vector<16xf32>
            %mul3A_551 = arith.mulf %mul3A_550, %mul3A_547 : vector<16xf32>
            %mul3A_552 = arith.mulf %mul3A_551, %mul3A_547 : vector<16xf32>
            %sub3A_553 = arith.constant 1.500000e+00 : f32
            %sub3A_554 = vector.broadcast %sub3A_553 : f32 to vector<16xf32>
            %sub3A_555 = arith.subf %sub3A_554, %mul3A_552 : vector<16xf32>
            %mul3A_556 = arith.mulf %mul3A_547, %sub3A_555 : vector<16xf32>
            %mul3A_557 = arith.constant 5.000000e-01 : f32
            %mul3A_558 = vector.broadcast %mul3A_557 : f32 to vector<16xf32>
            %mul3A_559 = arith.mulf %mul3A_558, %max3A_530 : vector<16xf32>
            %mul3A_560 = arith.mulf %mul3A_559, %mul3A_556 : vector<16xf32>
            %mul3A_561 = arith.mulf %mul3A_560, %mul3A_556 : vector<16xf32>
            %sub3A_562 = arith.constant 1.500000e+00 : f32
            %sub3A_563 = vector.broadcast %sub3A_562 : f32 to vector<16xf32>
            %sub3A_564 = arith.subf %sub3A_563, %mul3A_561 : vector<16xf32>
            %mul3A_565 = arith.mulf %mul3A_556, %sub3A_564 : vector<16xf32>
            %mul3A_566 = arith.mulf %max3A_530, %mul3A_565 : vector<16xf32>
            %mul3A_567 = arith.constant 2.500000e-01 : f32
            %mul3A_568 = vector.broadcast %mul3A_567 : f32 to vector<16xf32>
            %mul3A_569 = arith.mulf %mul3A_566, %mul3A_568 : vector<16xf32>
            %sub3A_570 = vector.broadcast %convert_element_type3A_476 : f32 to vector<16xf32>
            %sub3A_571 = arith.subf %sub3A_570, %get3A_360 : vector<16xf32>
            %abs3A_572 = math.absf %sub3A_571 : vector<16xf32>
            %mul3A_573 = arith.constant 4.000000e+00 : f32
            %mul3A_574 = vector.broadcast %mul3A_573 : f32 to vector<16xf32>
            %mul3A_575 = arith.mulf %mul3A_574, %abs3A_572 : vector<16xf32>
            %add3A_576 = arith.addf %mul3A_569, %mul3A_575 : vector<16xf32>
            %min3A_577 = arith.minimumf %while3A_448, %add3A_576 : vector<16xf32>
            %add3A_578 = arith.addf %parallel_loop3A_475#2, %get3A_380 : vector<16xf32>
            %max3A_579 = arith.constant 0.000000e+00 : f32
            %max3A_580 = vector.broadcast %max3A_579 : f32 to vector<16xf32>
            %max3A_581 = arith.maximumf %add3A_578, %max3A_580 : vector<16xf32>
            %bitcast_convert_type3A_582 = tpu.bitcast %max3A_581 : vector<16xf32> -> vector<16xi32>
            %shift_right_arithmetic3A_583 = arith.constant 1 : i32
            %shift_right_arithmetic3A_584 = vector.broadcast %shift_right_arithmetic3A_583 : i32 to vector<16xi32>
            %shift_right_arithmetic3A_585 = arith.shrsi %bitcast_convert_type3A_582, %shift_right_arithmetic3A_584 : vector<16xi32>
            %sub3A_586 = arith.constant 1597463007 : i32
            %sub3A_587 = vector.broadcast %sub3A_586 : i32 to vector<16xi32>
            %sub3A_588 = arith.subi %sub3A_587, %shift_right_arithmetic3A_585 : vector<16xi32>
            %bitcast_convert_type3A_589 = tpu.bitcast %sub3A_588 : vector<16xi32> -> vector<16xf32>
            %mul3A_590 = arith.constant 5.000000e-01 : f32
            %mul3A_591 = vector.broadcast %mul3A_590 : f32 to vector<16xf32>
            %mul3A_592 = arith.mulf %mul3A_591, %max3A_581 : vector<16xf32>
            %mul3A_593 = arith.mulf %mul3A_592, %bitcast_convert_type3A_589 : vector<16xf32>
            %mul3A_594 = arith.mulf %mul3A_593, %bitcast_convert_type3A_589 : vector<16xf32>
            %sub3A_595 = arith.constant 1.500000e+00 : f32
            %sub3A_596 = vector.broadcast %sub3A_595 : f32 to vector<16xf32>
            %sub3A_597 = arith.subf %sub3A_596, %mul3A_594 : vector<16xf32>
            %mul3A_598 = arith.mulf %bitcast_convert_type3A_589, %sub3A_597 : vector<16xf32>
            %mul3A_599 = arith.constant 5.000000e-01 : f32
            %mul3A_600 = vector.broadcast %mul3A_599 : f32 to vector<16xf32>
            %mul3A_601 = arith.mulf %mul3A_600, %max3A_581 : vector<16xf32>
            %mul3A_602 = arith.mulf %mul3A_601, %mul3A_598 : vector<16xf32>
            %mul3A_603 = arith.mulf %mul3A_602, %mul3A_598 : vector<16xf32>
            %sub3A_604 = arith.constant 1.500000e+00 : f32
            %sub3A_605 = vector.broadcast %sub3A_604 : f32 to vector<16xf32>
            %sub3A_606 = arith.subf %sub3A_605, %mul3A_603 : vector<16xf32>
            %mul3A_607 = arith.mulf %mul3A_598, %sub3A_606 : vector<16xf32>
            %mul3A_608 = arith.constant 5.000000e-01 : f32
            %mul3A_609 = vector.broadcast %mul3A_608 : f32 to vector<16xf32>
            %mul3A_610 = arith.mulf %mul3A_609, %max3A_581 : vector<16xf32>
            %mul3A_611 = arith.mulf %mul3A_610, %mul3A_607 : vector<16xf32>
            %mul3A_612 = arith.mulf %mul3A_611, %mul3A_607 : vector<16xf32>
            %sub3A_613 = arith.constant 1.500000e+00 : f32
            %sub3A_614 = vector.broadcast %sub3A_613 : f32 to vector<16xf32>
            %sub3A_615 = arith.subf %sub3A_614, %mul3A_612 : vector<16xf32>
            %mul3A_616 = arith.mulf %mul3A_607, %sub3A_615 : vector<16xf32>
            %mul3A_617 = arith.mulf %max3A_581, %mul3A_616 : vector<16xf32>
            %mul3A_618 = arith.constant 2.500000e-01 : f32
            %mul3A_619 = vector.broadcast %mul3A_618 : f32 to vector<16xf32>
            %mul3A_620 = arith.mulf %mul3A_617, %mul3A_619 : vector<16xf32>
            %sub3A_621 = vector.broadcast %convert_element_type3A_476 : f32 to vector<16xf32>
            %sub3A_622 = arith.subf %sub3A_621, %get3A_364 : vector<16xf32>
            %abs3A_623 = math.absf %sub3A_622 : vector<16xf32>
            %mul3A_624 = arith.constant 4.000000e+00 : f32
            %mul3A_625 = vector.broadcast %mul3A_624 : f32 to vector<16xf32>
            %mul3A_626 = arith.mulf %mul3A_625, %abs3A_623 : vector<16xf32>
            %add3A_627 = arith.addf %mul3A_620, %mul3A_626 : vector<16xf32>
            %min3A_628 = arith.minimumf %while3A_449, %add3A_627 : vector<16xf32>
            %add3A_629 = arith.addf %parallel_loop3A_475#3, %get3A_384 : vector<16xf32>
            %max3A_630 = arith.constant 0.000000e+00 : f32
            %max3A_631 = vector.broadcast %max3A_630 : f32 to vector<16xf32>
            %max3A_632 = arith.maximumf %add3A_629, %max3A_631 : vector<16xf32>
            %bitcast_convert_type3A_633 = tpu.bitcast %max3A_632 : vector<16xf32> -> vector<16xi32>
            %shift_right_arithmetic3A_634 = arith.constant 1 : i32
            %shift_right_arithmetic3A_635 = vector.broadcast %shift_right_arithmetic3A_634 : i32 to vector<16xi32>
            %shift_right_arithmetic3A_636 = arith.shrsi %bitcast_convert_type3A_633, %shift_right_arithmetic3A_635 : vector<16xi32>
            %sub3A_637 = arith.constant 1597463007 : i32
            %sub3A_638 = vector.broadcast %sub3A_637 : i32 to vector<16xi32>
            %sub3A_639 = arith.subi %sub3A_638, %shift_right_arithmetic3A_636 : vector<16xi32>
            %bitcast_convert_type3A_640 = tpu.bitcast %sub3A_639 : vector<16xi32> -> vector<16xf32>
            %mul3A_641 = arith.constant 5.000000e-01 : f32
            %mul3A_642 = vector.broadcast %mul3A_641 : f32 to vector<16xf32>
            %mul3A_643 = arith.mulf %mul3A_642, %max3A_632 : vector<16xf32>
            %mul3A_644 = arith.mulf %mul3A_643, %bitcast_convert_type3A_640 : vector<16xf32>
            %mul3A_645 = arith.mulf %mul3A_644, %bitcast_convert_type3A_640 : vector<16xf32>
            %sub3A_646 = arith.constant 1.500000e+00 : f32
            %sub3A_647 = vector.broadcast %sub3A_646 : f32 to vector<16xf32>
            %sub3A_648 = arith.subf %sub3A_647, %mul3A_645 : vector<16xf32>
            %mul3A_649 = arith.mulf %bitcast_convert_type3A_640, %sub3A_648 : vector<16xf32>
            %mul3A_650 = arith.constant 5.000000e-01 : f32
            %mul3A_651 = vector.broadcast %mul3A_650 : f32 to vector<16xf32>
            %mul3A_652 = arith.mulf %mul3A_651, %max3A_632 : vector<16xf32>
            %mul3A_653 = arith.mulf %mul3A_652, %mul3A_649 : vector<16xf32>
            %mul3A_654 = arith.mulf %mul3A_653, %mul3A_649 : vector<16xf32>
            %sub3A_655 = arith.constant 1.500000e+00 : f32
            %sub3A_656 = vector.broadcast %sub3A_655 : f32 to vector<16xf32>
            %sub3A_657 = arith.subf %sub3A_656, %mul3A_654 : vector<16xf32>
            %mul3A_658 = arith.mulf %mul3A_649, %sub3A_657 : vector<16xf32>
            %mul3A_659 = arith.constant 5.000000e-01 : f32
            %mul3A_660 = vector.broadcast %mul3A_659 : f32 to vector<16xf32>
            %mul3A_661 = arith.mulf %mul3A_660, %max3A_632 : vector<16xf32>
            %mul3A_662 = arith.mulf %mul3A_661, %mul3A_658 : vector<16xf32>
            %mul3A_663 = arith.mulf %mul3A_662, %mul3A_658 : vector<16xf32>
            %sub3A_664 = arith.constant 1.500000e+00 : f32
            %sub3A_665 = vector.broadcast %sub3A_664 : f32 to vector<16xf32>
            %sub3A_666 = arith.subf %sub3A_665, %mul3A_663 : vector<16xf32>
            %mul3A_667 = arith.mulf %mul3A_658, %sub3A_666 : vector<16xf32>
            %mul3A_668 = arith.mulf %max3A_632, %mul3A_667 : vector<16xf32>
            %mul3A_669 = arith.constant 2.500000e-01 : f32
            %mul3A_670 = vector.broadcast %mul3A_669 : f32 to vector<16xf32>
            %mul3A_671 = arith.mulf %mul3A_668, %mul3A_670 : vector<16xf32>
            %sub3A_672 = vector.broadcast %convert_element_type3A_476 : f32 to vector<16xf32>
            %sub3A_673 = arith.subf %sub3A_672, %get3A_368 : vector<16xf32>
            %abs3A_674 = math.absf %sub3A_673 : vector<16xf32>
            %mul3A_675 = arith.constant 4.000000e+00 : f32
            %mul3A_676 = vector.broadcast %mul3A_675 : f32 to vector<16xf32>
            %mul3A_677 = arith.mulf %mul3A_676, %abs3A_674 : vector<16xf32>
            %add3A_678 = arith.addf %mul3A_671, %mul3A_677 : vector<16xf32>
            %min3A_679 = arith.minimumf %while3A_450, %add3A_678 : vector<16xf32>
            scf.yield %min3A_526, %min3A_577, %min3A_628, %min3A_679 : vector<16xf32>, vector<16xf32>, vector<16xf32>, vector<16xf32>
          }
          %while3A_429 = arith.constant 1 : i32
          %while3A_430:4 = scf.for %while3A_446 = %while3A_426 to %while3A_422 step %while3A_429 iter_args(%while3A_447 = %while3A_428#0, %while3A_448 = %while3A_428#1, %while3A_449 = %while3A_428#2, %while3A_450 = %while3A_428#3) -> (vector<16xf32>, vector<16xf32>, vector<16xf32>, vector<16xf32>)  : i32 {
            %mul3A_451 = arith.constant 16 : i32
            %mul3A_452 = arith.muli %while3A_446, %mul3A_451 : i32
            %add3A_453 = arith.addi %mul3A_309, %mul3A_452 : i32
            %get3A_454 = arith.index_cast %add3A_453 : i32 to index
            %get3A_455 = tpu.vector_load %arg15[%get3A_454] {strides = array<i32>} : memref<288xi32, #tpu.memory_space<vmem>>, vector<16xi32>,
            %slice3A = vector.extract_strided_slice %get3A_455 {offsets = [0], sizes = [1], strides = [1]} : vector<16xi32> to vector<1xi32>
            %squeeze3A = vector.extract %slice3A[0] : i32 from vector<1xi32>
            %mul3A_456 = arith.constant 16 : i32
            %mul3A_457 = arith.muli %while3A_446, %mul3A_456 : i32
            %add3A_458 = arith.addi %mul3A_309, %mul3A_457 : i32
            %add3A_459 = arith.constant 16 : i32
            %add3A_460 = arith.addi %add3A_458, %add3A_459 : i32
            %get3A_461 = arith.index_cast %add3A_460 : i32 to index
            %get3A_462 = tpu.vector_load %arg15[%get3A_461] {strides = array<i32>} : memref<288xi32, #tpu.memory_space<vmem>>, vector<16xi32>,
            %slice3A_463 = vector.extract_strided_slice %get3A_462 {offsets = [0], sizes = [1], strides = [1]} : vector<16xi32> to vector<1xi32>
            %squeeze3A_464 = vector.extract %slice3A_463[0] : i32 from vector<1xi32>
            %jit3A = arith.constant true
            %select_n3A_465 = arith.select %jit3A, %squeeze3A_464, %squeeze3A : i32
            %broadcast_in_dim3A_466 = arith.constant 1.000000e+30 : f32
            %broadcast_in_dim3A_467 = vector.broadcast %broadcast_in_dim3A_466 : f32 to vector<16xf32>
            %broadcast_in_dim3A_468 = arith.constant 1.000000e+30 : f32
            %broadcast_in_dim3A_469 = vector.broadcast %broadcast_in_dim3A_468 : f32 to vector<16xf32>
            %broadcast_in_dim3A_470 = arith.constant 1.000000e+30 : f32
            %broadcast_in_dim3A_471 = vector.broadcast %broadcast_in_dim3A_470 : f32 to vector<16xf32>
            %broadcast_in_dim3A_472 = arith.constant 1.000000e+30 : f32
            %broadcast_in_dim3A_473 = vector.broadcast %broadcast_in_dim3A_472 : f32 to vector<16xf32>
            %parallel_loop3A_474 = arith.constant 1 : i32
            %parallel_loop3A_475:4 = scf.for %parallel_loop3A_680 = %squeeze3A to %select_n3A_465 step %parallel_loop3A_474 iter_args(%parallel_loop3A_681 = %broadcast_in_dim3A_467, %parallel_loop3A_682 = %broadcast_in_dim3A_469, %parallel_loop3A_683 = %broadcast_in_dim3A_471, %parallel_loop3A_684 = %broadcast_in_dim3A_473) -> (vector<16xf32>, vector<16xf32>, vector<16xf32>, vector<16xf32>)  : i32 {
              %parallel_loop3A_685 = arith.addi %parallel_loop3A_680, %mul3A_307 : i32
              %parallel_loop3A_686 = vector.broadcast %parallel_loop3A_685 : i32 to vector<16xi32>
              %parallel_loop3A_687 = tpu.vector_load_idx %arg19[%parallel_loop3A_686] : memref<1024xf32, #tpu.memory_space<vmem>>[vector<16xi32>], vector<16xf32>,
              %parallel_loop3A_688 = tpu.vector_load_idx %arg20[%parallel_loop3A_686] : memref<1024xf32, #tpu.memory_space<vmem>>[vector<16xi32>], vector<16xf32>,
              %parallel_loop3A_689 = tpu.vector_load_idx %arg21[%parallel_loop3A_686] : memref<1024xf32, #tpu.memory_space<vmem>>[vector<16xi32>], vector<16xf32>,
              %parallel_loop3A_690 = arith.mulf %get3A_324, %parallel_loop3A_687 : vector<16xf32>
              %parallel_loop3A_691 = arith.mulf %get3A_340, %parallel_loop3A_688 : vector<16xf32>
              %parallel_loop3A_692 = arith.addf %parallel_loop3A_690, %parallel_loop3A_691 : vector<16xf32>
              %parallel_loop3A_693 = arith.addf %parallel_loop3A_692, %parallel_loop3A_689 : vector<16xf32>
              %parallel_loop3A_694 = arith.minimumf %parallel_loop3A_681, %parallel_loop3A_693 : vector<16xf32>
              %parallel_loop3A_695 = arith.mulf %get3A_328, %parallel_loop3A_687 : vector<16xf32>
              %parallel_loop3A_696 = arith.mulf %get3A_344, %parallel_loop3A_688 : vector<16xf32>
              %parallel_loop3A_697 = arith.addf %parallel_loop3A_695, %parallel_loop3A_696 : vector<16xf32>
              %parallel_loop3A_698 = arith.addf %parallel_loop3A_697, %parallel_loop3A_689 : vector<16xf32>
              %parallel_loop3A_699 = arith.minimumf %parallel_loop3A_682, %parallel_loop3A_698 : vector<16xf32>
              %parallel_loop3A_700 = arith.mulf %get3A_332, %parallel_loop3A_687 : vector<16xf32>
              %parallel_loop3A_701 = arith.mulf %get3A_348, %parallel_loop3A_688 : vector<16xf32>
              %parallel_loop3A_702 = arith.addf %parallel_loop3A_700, %parallel_loop3A_701 : vector<16xf32>
              %parallel_loop3A_703 = arith.addf %parallel_loop3A_702, %parallel_loop3A_689 : vector<16xf32>
              %parallel_loop3A_704 = arith.minimumf %parallel_loop3A_683, %parallel_loop3A_703 : vector<16xf32>
              %parallel_loop3A_705 = arith.mulf %get3A_336, %parallel_loop3A_687 : vector<16xf32>
              %parallel_loop3A_706 = arith.mulf %get3A_352, %parallel_loop3A_688 : vector<16xf32>
              %parallel_loop3A_707 = arith.addf %parallel_loop3A_705, %parallel_loop3A_706 : vector<16xf32>
              %parallel_loop3A_708 = arith.addf %parallel_loop3A_707, %parallel_loop3A_689 : vector<16xf32>
              %parallel_loop3A_709 = arith.minimumf %parallel_loop3A_684, %parallel_loop3A_708 : vector<16xf32>
              scf.yield %parallel_loop3A_694, %parallel_loop3A_699, %parallel_loop3A_704, %parallel_loop3A_709 : vector<16xf32>, vector<16xf32>, vector<16xf32>, vector<16xf32>
            } {sc.loop_unroll_factor = 4 : i64, sc.parallel_access}
            %convert_element_type3A_476 = arith.sitofp %while3A_446 : i32 to f32
            %add3A_477 = arith.addf %parallel_loop3A_475#0, %get3A_372 : vector<16xf32>
            %max3A_478 = arith.constant 0.000000e+00 : f32
            %max3A_479 = vector.broadcast %max3A_478 : f32 to vector<16xf32>
            %max3A_480 = arith.maximumf %add3A_477, %max3A_479 : vector<16xf32>
            %bitcast_convert_type3A_481 = tpu.bitcast %max3A_480 : vector<16xf32> -> vector<16xi32>
            %shift_right_arithmetic3A_482 = arith.constant 1 : i32
            %shift_right_arithmetic3A_483 = vector.broadcast %shift_right_arithmetic3A_482 : i32 to vector<16xi32>
            %shift_right_arithmetic3A_484 = arith.shrsi %bitcast_convert_type3A_481, %shift_right_arithmetic3A_483 : vector<16xi32>
            %sub3A_485 = arith.constant 1597463007 : i32
            %sub3A_486 = vector.broadcast %sub3A_485 : i32 to vector<16xi32>
            %sub3A_487 = arith.subi %sub3A_486, %shift_right_arithmetic3A_484 : vector<16xi32>
            %bitcast_convert_type3A_488 = tpu.bitcast %sub3A_487 : vector<16xi32> -> vector<16xf32>
            %mul3A_489 = arith.constant 5.000000e-01 : f32
            %mul3A_490 = vector.broadcast %mul3A_489 : f32 to vector<16xf32>
            %mul3A_491 = arith.mulf %mul3A_490, %max3A_480 : vector<16xf32>
            %mul3A_492 = arith.mulf %mul3A_491, %bitcast_convert_type3A_488 : vector<16xf32>
            %mul3A_493 = arith.mulf %mul3A_492, %bitcast_convert_type3A_488 : vector<16xf32>
            %sub3A_494 = arith.constant 1.500000e+00 : f32
            %sub3A_495 = vector.broadcast %sub3A_494 : f32 to vector<16xf32>
            %sub3A_496 = arith.subf %sub3A_495, %mul3A_493 : vector<16xf32>
            %mul3A_497 = arith.mulf %bitcast_convert_type3A_488, %sub3A_496 : vector<16xf32>
            %mul3A_498 = arith.constant 5.000000e-01 : f32
            %mul3A_499 = vector.broadcast %mul3A_498 : f32 to vector<16xf32>
            %mul3A_500 = arith.mulf %mul3A_499, %max3A_480 : vector<16xf32>
            %mul3A_501 = arith.mulf %mul3A_500, %mul3A_497 : vector<16xf32>
            %mul3A_502 = arith.mulf %mul3A_501, %mul3A_497 : vector<16xf32>
            %sub3A_503 = arith.constant 1.500000e+00 : f32
            %sub3A_504 = vector.broadcast %sub3A_503 : f32 to vector<16xf32>
            %sub3A_505 = arith.subf %sub3A_504, %mul3A_502 : vector<16xf32>
            %mul3A_506 = arith.mulf %mul3A_497, %sub3A_505 : vector<16xf32>
            %mul3A_507 = arith.constant 5.000000e-01 : f32
            %mul3A_508 = vector.broadcast %mul3A_507 : f32 to vector<16xf32>
            %mul3A_509 = arith.mulf %mul3A_508, %max3A_480 : vector<16xf32>
            %mul3A_510 = arith.mulf %mul3A_509, %mul3A_506 : vector<16xf32>
            %mul3A_511 = arith.mulf %mul3A_510, %mul3A_506 : vector<16xf32>
            %sub3A_512 = arith.constant 1.500000e+00 : f32
            %sub3A_513 = vector.broadcast %sub3A_512 : f32 to vector<16xf32>
            %sub3A_514 = arith.subf %sub3A_513, %mul3A_511 : vector<16xf32>
            %mul3A_515 = arith.mulf %mul3A_506, %sub3A_514 : vector<16xf32>
            %mul3A_516 = arith.mulf %max3A_480, %mul3A_515 : vector<16xf32>
            %mul3A_517 = arith.constant 2.500000e-01 : f32
            %mul3A_518 = vector.broadcast %mul3A_517 : f32 to vector<16xf32>
            %mul3A_519 = arith.mulf %mul3A_516, %mul3A_518 : vector<16xf32>
            %sub3A_520 = vector.broadcast %convert_element_type3A_476 : f32 to vector<16xf32>
            %sub3A_521 = arith.subf %sub3A_520, %get3A_356 : vector<16xf32>
            %abs3A = math.absf %sub3A_521 : vector<16xf32>
            %mul3A_522 = arith.constant 4.000000e+00 : f32
            %mul3A_523 = vector.broadcast %mul3A_522 : f32 to vector<16xf32>
            %mul3A_524 = arith.mulf %mul3A_523, %abs3A : vector<16xf32>
            %add3A_525 = arith.addf %mul3A_519, %mul3A_524 : vector<16xf32>
            %min3A_526 = arith.minimumf %while3A_447, %add3A_525 : vector<16xf32>
            %add3A_527 = arith.addf %parallel_loop3A_475#1, %get3A_376 : vector<16xf32>
            %max3A_528 = arith.constant 0.000000e+00 : f32
            %max3A_529 = vector.broadcast %max3A_528 : f32 to vector<16xf32>
            %max3A_530 = arith.maximumf %add3A_527, %max3A_529 : vector<16xf32>
            %bitcast_convert_type3A_531 = tpu.bitcast %max3A_530 : vector<16xf32> -> vector<16xi32>
            %shift_right_arithmetic3A_532 = arith.constant 1 : i32
            %shift_right_arithmetic3A_533 = vector.broadcast %shift_right_arithmetic3A_532 : i32 to vector<16xi32>
            %shift_right_arithmetic3A_534 = arith.shrsi %bitcast_convert_type3A_531, %shift_right_arithmetic3A_533 : vector<16xi32>
            %sub3A_535 = arith.constant 1597463007 : i32
            %sub3A_536 = vector.broadcast %sub3A_535 : i32 to vector<16xi32>
            %sub3A_537 = arith.subi %sub3A_536, %shift_right_arithmetic3A_534 : vector<16xi32>
            %bitcast_convert_type3A_538 = tpu.bitcast %sub3A_537 : vector<16xi32> -> vector<16xf32>
            %mul3A_539 = arith.constant 5.000000e-01 : f32
            %mul3A_540 = vector.broadcast %mul3A_539 : f32 to vector<16xf32>
            %mul3A_541 = arith.mulf %mul3A_540, %max3A_530 : vector<16xf32>
            %mul3A_542 = arith.mulf %mul3A_541, %bitcast_convert_type3A_538 : vector<16xf32>
            %mul3A_543 = arith.mulf %mul3A_542, %bitcast_convert_type3A_538 : vector<16xf32>
            %sub3A_544 = arith.constant 1.500000e+00 : f32
            %sub3A_545 = vector.broadcast %sub3A_544 : f32 to vector<16xf32>
            %sub3A_546 = arith.subf %sub3A_545, %mul3A_543 : vector<16xf32>
            %mul3A_547 = arith.mulf %bitcast_convert_type3A_538, %sub3A_546 : vector<16xf32>
            %mul3A_548 = arith.constant 5.000000e-01 : f32
            %mul3A_549 = vector.broadcast %mul3A_548 : f32 to vector<16xf32>
            %mul3A_550 = arith.mulf %mul3A_549, %max3A_530 : vector<16xf32>
            %mul3A_551 = arith.mulf %mul3A_550, %mul3A_547 : vector<16xf32>
            %mul3A_552 = arith.mulf %mul3A_551, %mul3A_547 : vector<16xf32>
            %sub3A_553 = arith.constant 1.500000e+00 : f32
            %sub3A_554 = vector.broadcast %sub3A_553 : f32 to vector<16xf32>
            %sub3A_555 = arith.subf %sub3A_554, %mul3A_552 : vector<16xf32>
            %mul3A_556 = arith.mulf %mul3A_547, %sub3A_555 : vector<16xf32>
            %mul3A_557 = arith.constant 5.000000e-01 : f32
            %mul3A_558 = vector.broadcast %mul3A_557 : f32 to vector<16xf32>
            %mul3A_559 = arith.mulf %mul3A_558, %max3A_530 : vector<16xf32>
            %mul3A_560 = arith.mulf %mul3A_559, %mul3A_556 : vector<16xf32>
            %mul3A_561 = arith.mulf %mul3A_560, %mul3A_556 : vector<16xf32>
            %sub3A_562 = arith.constant 1.500000e+00 : f32
            %sub3A_563 = vector.broadcast %sub3A_562 : f32 to vector<16xf32>
            %sub3A_564 = arith.subf %sub3A_563, %mul3A_561 : vector<16xf32>
            %mul3A_565 = arith.mulf %mul3A_556, %sub3A_564 : vector<16xf32>
            %mul3A_566 = arith.mulf %max3A_530, %mul3A_565 : vector<16xf32>
            %mul3A_567 = arith.constant 2.500000e-01 : f32
            %mul3A_568 = vector.broadcast %mul3A_567 : f32 to vector<16xf32>
            %mul3A_569 = arith.mulf %mul3A_566, %mul3A_568 : vector<16xf32>
            %sub3A_570 = vector.broadcast %convert_element_type3A_476 : f32 to vector<16xf32>
            %sub3A_571 = arith.subf %sub3A_570, %get3A_360 : vector<16xf32>
            %abs3A_572 = math.absf %sub3A_571 : vector<16xf32>
            %mul3A_573 = arith.constant 4.000000e+00 : f32
            %mul3A_574 = vector.broadcast %mul3A_573 : f32 to vector<16xf32>
            %mul3A_575 = arith.mulf %mul3A_574, %abs3A_572 : vector<16xf32>
            %add3A_576 = arith.addf %mul3A_569, %mul3A_575 : vector<16xf32>
            %min3A_577 = arith.minimumf %while3A_448, %add3A_576 : vector<16xf32>
            %add3A_578 = arith.addf %parallel_loop3A_475#2, %get3A_380 : vector<16xf32>
            %max3A_579 = arith.constant 0.000000e+00 : f32
            %max3A_580 = vector.broadcast %max3A_579 : f32 to vector<16xf32>
            %max3A_581 = arith.maximumf %add3A_578, %max3A_580 : vector<16xf32>
            %bitcast_convert_type3A_582 = tpu.bitcast %max3A_581 : vector<16xf32> -> vector<16xi32>
            %shift_right_arithmetic3A_583 = arith.constant 1 : i32
            %shift_right_arithmetic3A_584 = vector.broadcast %shift_right_arithmetic3A_583 : i32 to vector<16xi32>
            %shift_right_arithmetic3A_585 = arith.shrsi %bitcast_convert_type3A_582, %shift_right_arithmetic3A_584 : vector<16xi32>
            %sub3A_586 = arith.constant 1597463007 : i32
            %sub3A_587 = vector.broadcast %sub3A_586 : i32 to vector<16xi32>
            %sub3A_588 = arith.subi %sub3A_587, %shift_right_arithmetic3A_585 : vector<16xi32>
            %bitcast_convert_type3A_589 = tpu.bitcast %sub3A_588 : vector<16xi32> -> vector<16xf32>
            %mul3A_590 = arith.constant 5.000000e-01 : f32
            %mul3A_591 = vector.broadcast %mul3A_590 : f32 to vector<16xf32>
            %mul3A_592 = arith.mulf %mul3A_591, %max3A_581 : vector<16xf32>
            %mul3A_593 = arith.mulf %mul3A_592, %bitcast_convert_type3A_589 : vector<16xf32>
            %mul3A_594 = arith.mulf %mul3A_593, %bitcast_convert_type3A_589 : vector<16xf32>
            %sub3A_595 = arith.constant 1.500000e+00 : f32
            %sub3A_596 = vector.broadcast %sub3A_595 : f32 to vector<16xf32>
            %sub3A_597 = arith.subf %sub3A_596, %mul3A_594 : vector<16xf32>
            %mul3A_598 = arith.mulf %bitcast_convert_type3A_589, %sub3A_597 : vector<16xf32>
            %mul3A_599 = arith.constant 5.000000e-01 : f32
            %mul3A_600 = vector.broadcast %mul3A_599 : f32 to vector<16xf32>
            %mul3A_601 = arith.mulf %mul3A_600, %max3A_581 : vector<16xf32>
            %mul3A_602 = arith.mulf %mul3A_601, %mul3A_598 : vector<16xf32>
            %mul3A_603 = arith.mulf %mul3A_602, %mul3A_598 : vector<16xf32>
            %sub3A_604 = arith.constant 1.500000e+00 : f32
            %sub3A_605 = vector.broadcast %sub3A_604 : f32 to vector<16xf32>
            %sub3A_606 = arith.subf %sub3A_605, %mul3A_603 : vector<16xf32>
            %mul3A_607 = arith.mulf %mul3A_598, %sub3A_606 : vector<16xf32>
            %mul3A_608 = arith.constant 5.000000e-01 : f32
            %mul3A_609 = vector.broadcast %mul3A_608 : f32 to vector<16xf32>
            %mul3A_610 = arith.mulf %mul3A_609, %max3A_581 : vector<16xf32>
            %mul3A_611 = arith.mulf %mul3A_610, %mul3A_607 : vector<16xf32>
            %mul3A_612 = arith.mulf %mul3A_611, %mul3A_607 : vector<16xf32>
            %sub3A_613 = arith.constant 1.500000e+00 : f32
            %sub3A_614 = vector.broadcast %sub3A_613 : f32 to vector<16xf32>
            %sub3A_615 = arith.subf %sub3A_614, %mul3A_612 : vector<16xf32>
            %mul3A_616 = arith.mulf %mul3A_607, %sub3A_615 : vector<16xf32>
            %mul3A_617 = arith.mulf %max3A_581, %mul3A_616 : vector<16xf32>
            %mul3A_618 = arith.constant 2.500000e-01 : f32
            %mul3A_619 = vector.broadcast %mul3A_618 : f32 to vector<16xf32>
            %mul3A_620 = arith.mulf %mul3A_617, %mul3A_619 : vector<16xf32>
            %sub3A_621 = vector.broadcast %convert_element_type3A_476 : f32 to vector<16xf32>
            %sub3A_622 = arith.subf %sub3A_621, %get3A_364 : vector<16xf32>
            %abs3A_623 = math.absf %sub3A_622 : vector<16xf32>
            %mul3A_624 = arith.constant 4.000000e+00 : f32
            %mul3A_625 = vector.broadcast %mul3A_624 : f32 to vector<16xf32>
            %mul3A_626 = arith.mulf %mul3A_625, %abs3A_623 : vector<16xf32>
            %add3A_627 = arith.addf %mul3A_620, %mul3A_626 : vector<16xf32>
            %min3A_628 = arith.minimumf %while3A_449, %add3A_627 : vector<16xf32>
            %add3A_629 = arith.addf %parallel_loop3A_475#3, %get3A_384 : vector<16xf32>
            %max3A_630 = arith.constant 0.000000e+00 : f32
            %max3A_631 = vector.broadcast %max3A_630 : f32 to vector<16xf32>
            %max3A_632 = arith.maximumf %add3A_629, %max3A_631 : vector<16xf32>
            %bitcast_convert_type3A_633 = tpu.bitcast %max3A_632 : vector<16xf32> -> vector<16xi32>
            %shift_right_arithmetic3A_634 = arith.constant 1 : i32
            %shift_right_arithmetic3A_635 = vector.broadcast %shift_right_arithmetic3A_634 : i32 to vector<16xi32>
            %shift_right_arithmetic3A_636 = arith.shrsi %bitcast_convert_type3A_633, %shift_right_arithmetic3A_635 : vector<16xi32>
            %sub3A_637 = arith.constant 1597463007 : i32
            %sub3A_638 = vector.broadcast %sub3A_637 : i32 to vector<16xi32>
            %sub3A_639 = arith.subi %sub3A_638, %shift_right_arithmetic3A_636 : vector<16xi32>
            %bitcast_convert_type3A_640 = tpu.bitcast %sub3A_639 : vector<16xi32> -> vector<16xf32>
            %mul3A_641 = arith.constant 5.000000e-01 : f32
            %mul3A_642 = vector.broadcast %mul3A_641 : f32 to vector<16xf32>
            %mul3A_643 = arith.mulf %mul3A_642, %max3A_632 : vector<16xf32>
            %mul3A_644 = arith.mulf %mul3A_643, %bitcast_convert_type3A_640 : vector<16xf32>
            %mul3A_645 = arith.mulf %mul3A_644, %bitcast_convert_type3A_640 : vector<16xf32>
            %sub3A_646 = arith.constant 1.500000e+00 : f32
            %sub3A_647 = vector.broadcast %sub3A_646 : f32 to vector<16xf32>
            %sub3A_648 = arith.subf %sub3A_647, %mul3A_645 : vector<16xf32>
            %mul3A_649 = arith.mulf %bitcast_convert_type3A_640, %sub3A_648 : vector<16xf32>
            %mul3A_650 = arith.constant 5.000000e-01 : f32
            %mul3A_651 = vector.broadcast %mul3A_650 : f32 to vector<16xf32>
            %mul3A_652 = arith.mulf %mul3A_651, %max3A_632 : vector<16xf32>
            %mul3A_653 = arith.mulf %mul3A_652, %mul3A_649 : vector<16xf32>
            %mul3A_654 = arith.mulf %mul3A_653, %mul3A_649 : vector<16xf32>
            %sub3A_655 = arith.constant 1.500000e+00 : f32
            %sub3A_656 = vector.broadcast %sub3A_655 : f32 to vector<16xf32>
            %sub3A_657 = arith.subf %sub3A_656, %mul3A_654 : vector<16xf32>
            %mul3A_658 = arith.mulf %mul3A_649, %sub3A_657 : vector<16xf32>
            %mul3A_659 = arith.constant 5.000000e-01 : f32
            %mul3A_660 = vector.broadcast %mul3A_659 : f32 to vector<16xf32>
            %mul3A_661 = arith.mulf %mul3A_660, %max3A_632 : vector<16xf32>
            %mul3A_662 = arith.mulf %mul3A_661, %mul3A_658 : vector<16xf32>
            %mul3A_663 = arith.mulf %mul3A_662, %mul3A_658 : vector<16xf32>
            %sub3A_664 = arith.constant 1.500000e+00 : f32
            %sub3A_665 = vector.broadcast %sub3A_664 : f32 to vector<16xf32>
            %sub3A_666 = arith.subf %sub3A_665, %mul3A_663 : vector<16xf32>
            %mul3A_667 = arith.mulf %mul3A_658, %sub3A_666 : vector<16xf32>
            %mul3A_668 = arith.mulf %max3A_632, %mul3A_667 : vector<16xf32>
            %mul3A_669 = arith.constant 2.500000e-01 : f32
            %mul3A_670 = vector.broadcast %mul3A_669 : f32 to vector<16xf32>
            %mul3A_671 = arith.mulf %mul3A_668, %mul3A_670 : vector<16xf32>
            %sub3A_672 = vector.broadcast %convert_element_type3A_476 : f32 to vector<16xf32>
            %sub3A_673 = arith.subf %sub3A_672, %get3A_368 : vector<16xf32>
            %abs3A_674 = math.absf %sub3A_673 : vector<16xf32>
            %mul3A_675 = arith.constant 4.000000e+00 : f32
            %mul3A_676 = vector.broadcast %mul3A_675 : f32 to vector<16xf32>
            %mul3A_677 = arith.mulf %mul3A_676, %abs3A_674 : vector<16xf32>
            %add3A_678 = arith.addf %mul3A_671, %mul3A_677 : vector<16xf32>
            %min3A_679 = arith.minimumf %while3A_450, %add3A_678 : vector<16xf32>
            scf.yield %min3A_526, %min3A_577, %min3A_628, %min3A_679 : vector<16xf32>, vector<16xf32>, vector<16xf32>, vector<16xf32>
          }
          %max3A_431 = arith.maximumf %while3A_430#0, %while3A_430#1 : vector<16xf32>
          %max3A_432 = arith.maximumf %max3A_431, %while3A_430#2 : vector<16xf32>
          %max3A_433 = arith.maximumf %max3A_432, %while3A_430#3 : vector<16xf32>
          %reduce_max3A_434 = arith.constant true
          %reduce_max3A_435 = vector.broadcast %reduce_max3A_434 : i1 to vector<16xi1>
          %reduce_max3A_436 = tpu.scan <max>, %max3A_433 masked %reduce_max3A_435 : vector<16xf32>, vector<16xi1> -> vector<16xf32>
          %reduce_max3A_437 = vector.extract %reduce_max3A_436[15] : f32 from vector<16xf32>
          %gt3A = arith.constant 4.000000e+00 : f32
          %gt3A_438 = arith.cmpf ogt, %reduce_max3A_437, %gt3A : f32
          %convert_element_type3A_439 = arith.extui %gt3A_438 : i1 to i32
          %cond3A = arith.constant 0 : i32
          %cond3A_440 = arith.cmpi ne, %convert_element_type3A_439, %cond3A : i32
          %cond3A_441:4 = scf.if %cond3A_440 -> (vector<16xf32>, vector<16xf32>, vector<16xf32>, vector<16xf32>) {
            %scan3A_446 = arith.constant 0 : i32
            %scan3A_447 = arith.constant 8 : i32
            %scan3A_448 = arith.addi %scan3A_446, %scan3A_447 : i32
            %scan3A_449 = arith.constant 1 : i32
            %scan3A_450:4 = scf.for %scan3A_452 = %scan3A_446 to %scan3A_448 step %scan3A_449 iter_args(%scan3A_453 = %while3A_430#0, %scan3A_454 = %while3A_430#1, %scan3A_455 = %while3A_430#2, %scan3A_456 = %while3A_430#3) -> (vector<16xf32>, vector<16xf32>, vector<16xf32>, vector<16xf32>)  : i32 {
              %convert_element_type3A_457 = arith.sitofp %scan3A_452 : i32 to f32
              %sub3A_458 = arith.subf %reduce_min3A_415, %convert_element_type3A_457 : f32
              %sub3A_459 = arith.subf %convert_element_type3A_457, %reduce_max3A_418 : f32
              %max3A_460 = arith.maximumf %sub3A_458, %sub3A_459 : f32
              %gt3A_461 = arith.constant 0.000000e+00 : f32
              %gt3A_462 = arith.cmpf ogt, %max3A_460, %gt3A_461 : f32
              %mul3A_463 = arith.constant 4.000000e+00 : f32
              %mul3A_464 = arith.mulf %mul3A_463, %max3A_460 : f32
              %gt3A_465 = arith.cmpf ogt, %reduce_max3A_437, %mul3A_464 : f32
              %and3A = arith.andi %gt3A_462, %gt3A_465 : i1
              %mul3A_466 = arith.constant 16 : i32
              %mul3A_467 = arith.muli %scan3A_452, %mul3A_466 : i32
              %add3A_468 = arith.addi %mul3A_309, %mul3A_467 : i32
              %get3A_469 = arith.index_cast %add3A_468 : i32 to index
              %get3A_470 = tpu.vector_load %arg15[%get3A_469] {strides = array<i32>} : memref<288xi32, #tpu.memory_space<vmem>>, vector<16xi32>,
              %slice3A = vector.extract_strided_slice %get3A_470 {offsets = [0], sizes = [1], strides = [1]} : vector<16xi32> to vector<1xi32>
              %squeeze3A = vector.extract %slice3A[0] : i32 from vector<1xi32>
              %mul3A_471 = arith.constant 16 : i32
              %mul3A_472 = arith.muli %scan3A_452, %mul3A_471 : i32
              %add3A_473 = arith.addi %mul3A_309, %mul3A_472 : i32
              %add3A_474 = arith.constant 16 : i32
              %add3A_475 = arith.addi %add3A_473, %add3A_474 : i32
              %get3A_476 = arith.index_cast %add3A_475 : i32 to index
              %get3A_477 = tpu.vector_load %arg15[%get3A_476] {strides = array<i32>} : memref<288xi32, #tpu.memory_space<vmem>>, vector<16xi32>,
              %slice3A_478 = vector.extract_strided_slice %get3A_477 {offsets = [0], sizes = [1], strides = [1]} : vector<16xi32> to vector<1xi32>
              %squeeze3A_479 = vector.extract %slice3A_478[0] : i32 from vector<1xi32>
              %select_n3A_480 = arith.select %and3A, %squeeze3A_479, %squeeze3A : i32
              %broadcast_in_dim3A_481 = arith.constant 1.000000e+30 : f32
              %broadcast_in_dim3A_482 = vector.broadcast %broadcast_in_dim3A_481 : f32 to vector<16xf32>
              %broadcast_in_dim3A_483 = arith.constant 1.000000e+30 : f32
              %broadcast_in_dim3A_484 = vector.broadcast %broadcast_in_dim3A_483 : f32 to vector<16xf32>
              %broadcast_in_dim3A_485 = arith.constant 1.000000e+30 : f32
              %broadcast_in_dim3A_486 = vector.broadcast %broadcast_in_dim3A_485 : f32 to vector<16xf32>
              %broadcast_in_dim3A_487 = arith.constant 1.000000e+30 : f32
              %broadcast_in_dim3A_488 = vector.broadcast %broadcast_in_dim3A_487 : f32 to vector<16xf32>
              %parallel_loop3A_489 = arith.constant 1 : i32
              %parallel_loop3A_490:4 = scf.for %parallel_loop3A_695 = %squeeze3A to %select_n3A_480 step %parallel_loop3A_489 iter_args(%parallel_loop3A_696 = %broadcast_in_dim3A_482, %parallel_loop3A_697 = %broadcast_in_dim3A_484, %parallel_loop3A_698 = %broadcast_in_dim3A_486, %parallel_loop3A_699 = %broadcast_in_dim3A_488) -> (vector<16xf32>, vector<16xf32>, vector<16xf32>, vector<16xf32>)  : i32 {
                %parallel_loop3A_700 = arith.addi %parallel_loop3A_695, %mul3A_307 : i32
                %parallel_loop3A_701 = vector.broadcast %parallel_loop3A_700 : i32 to vector<16xi32>
                %parallel_loop3A_702 = tpu.vector_load_idx %arg19[%parallel_loop3A_701] : memref<1024xf32, #tpu.memory_space<vmem>>[vector<16xi32>], vector<16xf32>,
                %parallel_loop3A_703 = tpu.vector_load_idx %arg20[%parallel_loop3A_701] : memref<1024xf32, #tpu.memory_space<vmem>>[vector<16xi32>], vector<16xf32>,
                %parallel_loop3A_704 = tpu.vector_load_idx %arg21[%parallel_loop3A_701] : memref<1024xf32, #tpu.memory_space<vmem>>[vector<16xi32>], vector<16xf32>,
                %parallel_loop3A_705 = arith.mulf %get3A_324, %parallel_loop3A_702 : vector<16xf32>
                %parallel_loop3A_706 = arith.mulf %get3A_340, %parallel_loop3A_703 : vector<16xf32>
                %parallel_loop3A_707 = arith.addf %parallel_loop3A_705, %parallel_loop3A_706 : vector<16xf32>
                %parallel_loop3A_708 = arith.addf %parallel_loop3A_707, %parallel_loop3A_704 : vector<16xf32>
                %parallel_loop3A_709 = arith.minimumf %parallel_loop3A_696, %parallel_loop3A_708 : vector<16xf32>
                %parallel_loop3A_710 = arith.mulf %get3A_328, %parallel_loop3A_702 : vector<16xf32>
                %parallel_loop3A_711 = arith.mulf %get3A_344, %parallel_loop3A_703 : vector<16xf32>
                %parallel_loop3A_712 = arith.addf %parallel_loop3A_710, %parallel_loop3A_711 : vector<16xf32>
                %parallel_loop3A_713 = arith.addf %parallel_loop3A_712, %parallel_loop3A_704 : vector<16xf32>
                %parallel_loop3A_714 = arith.minimumf %parallel_loop3A_697, %parallel_loop3A_713 : vector<16xf32>
                %parallel_loop3A_715 = arith.mulf %get3A_332, %parallel_loop3A_702 : vector<16xf32>
                %parallel_loop3A_716 = arith.mulf %get3A_348, %parallel_loop3A_703 : vector<16xf32>
                %parallel_loop3A_717 = arith.addf %parallel_loop3A_715, %parallel_loop3A_716 : vector<16xf32>
                %parallel_loop3A_718 = arith.addf %parallel_loop3A_717, %parallel_loop3A_704 : vector<16xf32>
                %parallel_loop3A_719 = arith.minimumf %parallel_loop3A_698, %parallel_loop3A_718 : vector<16xf32>
                %parallel_loop3A_720 = arith.mulf %get3A_336, %parallel_loop3A_702 : vector<16xf32>
                %parallel_loop3A_721 = arith.mulf %get3A_352, %parallel_loop3A_703 : vector<16xf32>
                %parallel_loop3A_722 = arith.addf %parallel_loop3A_720, %parallel_loop3A_721 : vector<16xf32>
                %parallel_loop3A_723 = arith.addf %parallel_loop3A_722, %parallel_loop3A_704 : vector<16xf32>
                %parallel_loop3A_724 = arith.minimumf %parallel_loop3A_699, %parallel_loop3A_723 : vector<16xf32>
                scf.yield %parallel_loop3A_709, %parallel_loop3A_714, %parallel_loop3A_719, %parallel_loop3A_724 : vector<16xf32>, vector<16xf32>, vector<16xf32>, vector<16xf32>
              } {sc.loop_unroll_factor = 4 : i64, sc.parallel_access}
              %convert_element_type3A_491 = arith.sitofp %scan3A_452 : i32 to f32
              %add3A_492 = arith.addf %parallel_loop3A_490#0, %get3A_372 : vector<16xf32>
              %max3A_493 = arith.constant 0.000000e+00 : f32
              %max3A_494 = vector.broadcast %max3A_493 : f32 to vector<16xf32>
              %max3A_495 = arith.maximumf %add3A_492, %max3A_494 : vector<16xf32>
              %bitcast_convert_type3A_496 = tpu.bitcast %max3A_495 : vector<16xf32> -> vector<16xi32>
              %shift_right_arithmetic3A_497 = arith.constant 1 : i32
              %shift_right_arithmetic3A_498 = vector.broadcast %shift_right_arithmetic3A_497 : i32 to vector<16xi32>
              %shift_right_arithmetic3A_499 = arith.shrsi %bitcast_convert_type3A_496, %shift_right_arithmetic3A_498 : vector<16xi32>
              %sub3A_500 = arith.constant 1597463007 : i32
              %sub3A_501 = vector.broadcast %sub3A_500 : i32 to vector<16xi32>
              %sub3A_502 = arith.subi %sub3A_501, %shift_right_arithmetic3A_499 : vector<16xi32>
              %bitcast_convert_type3A_503 = tpu.bitcast %sub3A_502 : vector<16xi32> -> vector<16xf32>
              %mul3A_504 = arith.constant 5.000000e-01 : f32
              %mul3A_505 = vector.broadcast %mul3A_504 : f32 to vector<16xf32>
              %mul3A_506 = arith.mulf %mul3A_505, %max3A_495 : vector<16xf32>
              %mul3A_507 = arith.mulf %mul3A_506, %bitcast_convert_type3A_503 : vector<16xf32>
              %mul3A_508 = arith.mulf %mul3A_507, %bitcast_convert_type3A_503 : vector<16xf32>
              %sub3A_509 = arith.constant 1.500000e+00 : f32
              %sub3A_510 = vector.broadcast %sub3A_509 : f32 to vector<16xf32>
              %sub3A_511 = arith.subf %sub3A_510, %mul3A_508 : vector<16xf32>
              %mul3A_512 = arith.mulf %bitcast_convert_type3A_503, %sub3A_511 : vector<16xf32>
              %mul3A_513 = arith.constant 5.000000e-01 : f32
              %mul3A_514 = vector.broadcast %mul3A_513 : f32 to vector<16xf32>
              %mul3A_515 = arith.mulf %mul3A_514, %max3A_495 : vector<16xf32>
              %mul3A_516 = arith.mulf %mul3A_515, %mul3A_512 : vector<16xf32>
              %mul3A_517 = arith.mulf %mul3A_516, %mul3A_512 : vector<16xf32>
              %sub3A_518 = arith.constant 1.500000e+00 : f32
              %sub3A_519 = vector.broadcast %sub3A_518 : f32 to vector<16xf32>
              %sub3A_520 = arith.subf %sub3A_519, %mul3A_517 : vector<16xf32>
              %mul3A_521 = arith.mulf %mul3A_512, %sub3A_520 : vector<16xf32>
              %mul3A_522 = arith.constant 5.000000e-01 : f32
              %mul3A_523 = vector.broadcast %mul3A_522 : f32 to vector<16xf32>
              %mul3A_524 = arith.mulf %mul3A_523, %max3A_495 : vector<16xf32>
              %mul3A_525 = arith.mulf %mul3A_524, %mul3A_521 : vector<16xf32>
              %mul3A_526 = arith.mulf %mul3A_525, %mul3A_521 : vector<16xf32>
              %sub3A_527 = arith.constant 1.500000e+00 : f32
              %sub3A_528 = vector.broadcast %sub3A_527 : f32 to vector<16xf32>
              %sub3A_529 = arith.subf %sub3A_528, %mul3A_526 : vector<16xf32>
              %mul3A_530 = arith.mulf %mul3A_521, %sub3A_529 : vector<16xf32>
              %mul3A_531 = arith.mulf %max3A_495, %mul3A_530 : vector<16xf32>
              %mul3A_532 = arith.constant 2.500000e-01 : f32
              %mul3A_533 = vector.broadcast %mul3A_532 : f32 to vector<16xf32>
              %mul3A_534 = arith.mulf %mul3A_531, %mul3A_533 : vector<16xf32>
              %sub3A_535 = vector.broadcast %convert_element_type3A_491 : f32 to vector<16xf32>
              %sub3A_536 = arith.subf %sub3A_535, %get3A_356 : vector<16xf32>
              %abs3A = math.absf %sub3A_536 : vector<16xf32>
              %mul3A_537 = arith.constant 4.000000e+00 : f32
              %mul3A_538 = vector.broadcast %mul3A_537 : f32 to vector<16xf32>
              %mul3A_539 = arith.mulf %mul3A_538, %abs3A : vector<16xf32>
              %add3A_540 = arith.addf %mul3A_534, %mul3A_539 : vector<16xf32>
              %min3A_541 = arith.minimumf %scan3A_453, %add3A_540 : vector<16xf32>
              %add3A_542 = arith.addf %parallel_loop3A_490#1, %get3A_376 : vector<16xf32>
              %max3A_543 = arith.constant 0.000000e+00 : f32
              %max3A_544 = vector.broadcast %max3A_543 : f32 to vector<16xf32>
              %max3A_545 = arith.maximumf %add3A_542, %max3A_544 : vector<16xf32>
              %bitcast_convert_type3A_546 = tpu.bitcast %max3A_545 : vector<16xf32> -> vector<16xi32>
              %shift_right_arithmetic3A_547 = arith.constant 1 : i32
              %shift_right_arithmetic3A_548 = vector.broadcast %shift_right_arithmetic3A_547 : i32 to vector<16xi32>
              %shift_right_arithmetic3A_549 = arith.shrsi %bitcast_convert_type3A_546, %shift_right_arithmetic3A_548 : vector<16xi32>
              %sub3A_550 = arith.constant 1597463007 : i32
              %sub3A_551 = vector.broadcast %sub3A_550 : i32 to vector<16xi32>
              %sub3A_552 = arith.subi %sub3A_551, %shift_right_arithmetic3A_549 : vector<16xi32>
              %bitcast_convert_type3A_553 = tpu.bitcast %sub3A_552 : vector<16xi32> -> vector<16xf32>
              %mul3A_554 = arith.constant 5.000000e-01 : f32
              %mul3A_555 = vector.broadcast %mul3A_554 : f32 to vector<16xf32>
              %mul3A_556 = arith.mulf %mul3A_555, %max3A_545 : vector<16xf32>
              %mul3A_557 = arith.mulf %mul3A_556, %bitcast_convert_type3A_553 : vector<16xf32>
              %mul3A_558 = arith.mulf %mul3A_557, %bitcast_convert_type3A_553 : vector<16xf32>
              %sub3A_559 = arith.constant 1.500000e+00 : f32
              %sub3A_560 = vector.broadcast %sub3A_559 : f32 to vector<16xf32>
              %sub3A_561 = arith.subf %sub3A_560, %mul3A_558 : vector<16xf32>
              %mul3A_562 = arith.mulf %bitcast_convert_type3A_553, %sub3A_561 : vector<16xf32>
              %mul3A_563 = arith.constant 5.000000e-01 : f32
              %mul3A_564 = vector.broadcast %mul3A_563 : f32 to vector<16xf32>
              %mul3A_565 = arith.mulf %mul3A_564, %max3A_545 : vector<16xf32>
              %mul3A_566 = arith.mulf %mul3A_565, %mul3A_562 : vector<16xf32>
              %mul3A_567 = arith.mulf %mul3A_566, %mul3A_562 : vector<16xf32>
              %sub3A_568 = arith.constant 1.500000e+00 : f32
              %sub3A_569 = vector.broadcast %sub3A_568 : f32 to vector<16xf32>
              %sub3A_570 = arith.subf %sub3A_569, %mul3A_567 : vector<16xf32>
              %mul3A_571 = arith.mulf %mul3A_562, %sub3A_570 : vector<16xf32>
              %mul3A_572 = arith.constant 5.000000e-01 : f32
              %mul3A_573 = vector.broadcast %mul3A_572 : f32 to vector<16xf32>
              %mul3A_574 = arith.mulf %mul3A_573, %max3A_545 : vector<16xf32>
              %mul3A_575 = arith.mulf %mul3A_574, %mul3A_571 : vector<16xf32>
              %mul3A_576 = arith.mulf %mul3A_575, %mul3A_571 : vector<16xf32>
              %sub3A_577 = arith.constant 1.500000e+00 : f32
              %sub3A_578 = vector.broadcast %sub3A_577 : f32 to vector<16xf32>
              %sub3A_579 = arith.subf %sub3A_578, %mul3A_576 : vector<16xf32>
              %mul3A_580 = arith.mulf %mul3A_571, %sub3A_579 : vector<16xf32>
              %mul3A_581 = arith.mulf %max3A_545, %mul3A_580 : vector<16xf32>
              %mul3A_582 = arith.constant 2.500000e-01 : f32
              %mul3A_583 = vector.broadcast %mul3A_582 : f32 to vector<16xf32>
              %mul3A_584 = arith.mulf %mul3A_581, %mul3A_583 : vector<16xf32>
              %sub3A_585 = vector.broadcast %convert_element_type3A_491 : f32 to vector<16xf32>
              %sub3A_586 = arith.subf %sub3A_585, %get3A_360 : vector<16xf32>
              %abs3A_587 = math.absf %sub3A_586 : vector<16xf32>
              %mul3A_588 = arith.constant 4.000000e+00 : f32
              %mul3A_589 = vector.broadcast %mul3A_588 : f32 to vector<16xf32>
              %mul3A_590 = arith.mulf %mul3A_589, %abs3A_587 : vector<16xf32>
              %add3A_591 = arith.addf %mul3A_584, %mul3A_590 : vector<16xf32>
              %min3A_592 = arith.minimumf %scan3A_454, %add3A_591 : vector<16xf32>
              %add3A_593 = arith.addf %parallel_loop3A_490#2, %get3A_380 : vector<16xf32>
              %max3A_594 = arith.constant 0.000000e+00 : f32
              %max3A_595 = vector.broadcast %max3A_594 : f32 to vector<16xf32>
              %max3A_596 = arith.maximumf %add3A_593, %max3A_595 : vector<16xf32>
              %bitcast_convert_type3A_597 = tpu.bitcast %max3A_596 : vector<16xf32> -> vector<16xi32>
              %shift_right_arithmetic3A_598 = arith.constant 1 : i32
              %shift_right_arithmetic3A_599 = vector.broadcast %shift_right_arithmetic3A_598 : i32 to vector<16xi32>
              %shift_right_arithmetic3A_600 = arith.shrsi %bitcast_convert_type3A_597, %shift_right_arithmetic3A_599 : vector<16xi32>
              %sub3A_601 = arith.constant 1597463007 : i32
              %sub3A_602 = vector.broadcast %sub3A_601 : i32 to vector<16xi32>
              %sub3A_603 = arith.subi %sub3A_602, %shift_right_arithmetic3A_600 : vector<16xi32>
              %bitcast_convert_type3A_604 = tpu.bitcast %sub3A_603 : vector<16xi32> -> vector<16xf32>
              %mul3A_605 = arith.constant 5.000000e-01 : f32
              %mul3A_606 = vector.broadcast %mul3A_605 : f32 to vector<16xf32>
              %mul3A_607 = arith.mulf %mul3A_606, %max3A_596 : vector<16xf32>
              %mul3A_608 = arith.mulf %mul3A_607, %bitcast_convert_type3A_604 : vector<16xf32>
              %mul3A_609 = arith.mulf %mul3A_608, %bitcast_convert_type3A_604 : vector<16xf32>
              %sub3A_610 = arith.constant 1.500000e+00 : f32
              %sub3A_611 = vector.broadcast %sub3A_610 : f32 to vector<16xf32>
              %sub3A_612 = arith.subf %sub3A_611, %mul3A_609 : vector<16xf32>
              %mul3A_613 = arith.mulf %bitcast_convert_type3A_604, %sub3A_612 : vector<16xf32>
              %mul3A_614 = arith.constant 5.000000e-01 : f32
              %mul3A_615 = vector.broadcast %mul3A_614 : f32 to vector<16xf32>
              %mul3A_616 = arith.mulf %mul3A_615, %max3A_596 : vector<16xf32>
              %mul3A_617 = arith.mulf %mul3A_616, %mul3A_613 : vector<16xf32>
              %mul3A_618 = arith.mulf %mul3A_617, %mul3A_613 : vector<16xf32>
              %sub3A_619 = arith.constant 1.500000e+00 : f32
              %sub3A_620 = vector.broadcast %sub3A_619 : f32 to vector<16xf32>
              %sub3A_621 = arith.subf %sub3A_620, %mul3A_618 : vector<16xf32>
              %mul3A_622 = arith.mulf %mul3A_613, %sub3A_621 : vector<16xf32>
              %mul3A_623 = arith.constant 5.000000e-01 : f32
              %mul3A_624 = vector.broadcast %mul3A_623 : f32 to vector<16xf32>
              %mul3A_625 = arith.mulf %mul3A_624, %max3A_596 : vector<16xf32>
              %mul3A_626 = arith.mulf %mul3A_625, %mul3A_622 : vector<16xf32>
              %mul3A_627 = arith.mulf %mul3A_626, %mul3A_622 : vector<16xf32>
              %sub3A_628 = arith.constant 1.500000e+00 : f32
              %sub3A_629 = vector.broadcast %sub3A_628 : f32 to vector<16xf32>
              %sub3A_630 = arith.subf %sub3A_629, %mul3A_627 : vector<16xf32>
              %mul3A_631 = arith.mulf %mul3A_622, %sub3A_630 : vector<16xf32>
              %mul3A_632 = arith.mulf %max3A_596, %mul3A_631 : vector<16xf32>
              %mul3A_633 = arith.constant 2.500000e-01 : f32
              %mul3A_634 = vector.broadcast %mul3A_633 : f32 to vector<16xf32>
              %mul3A_635 = arith.mulf %mul3A_632, %mul3A_634 : vector<16xf32>
              %sub3A_636 = vector.broadcast %convert_element_type3A_491 : f32 to vector<16xf32>
              %sub3A_637 = arith.subf %sub3A_636, %get3A_364 : vector<16xf32>
              %abs3A_638 = math.absf %sub3A_637 : vector<16xf32>
              %mul3A_639 = arith.constant 4.000000e+00 : f32
              %mul3A_640 = vector.broadcast %mul3A_639 : f32 to vector<16xf32>
              %mul3A_641 = arith.mulf %mul3A_640, %abs3A_638 : vector<16xf32>
              %add3A_642 = arith.addf %mul3A_635, %mul3A_641 : vector<16xf32>
              %min3A_643 = arith.minimumf %scan3A_455, %add3A_642 : vector<16xf32>
              %add3A_644 = arith.addf %parallel_loop3A_490#3, %get3A_384 : vector<16xf32>
              %max3A_645 = arith.constant 0.000000e+00 : f32
              %max3A_646 = vector.broadcast %max3A_645 : f32 to vector<16xf32>
              %max3A_647 = arith.maximumf %add3A_644, %max3A_646 : vector<16xf32>
              %bitcast_convert_type3A_648 = tpu.bitcast %max3A_647 : vector<16xf32> -> vector<16xi32>
              %shift_right_arithmetic3A_649 = arith.constant 1 : i32
              %shift_right_arithmetic3A_650 = vector.broadcast %shift_right_arithmetic3A_649 : i32 to vector<16xi32>
              %shift_right_arithmetic3A_651 = arith.shrsi %bitcast_convert_type3A_648, %shift_right_arithmetic3A_650 : vector<16xi32>
              %sub3A_652 = arith.constant 1597463007 : i32
              %sub3A_653 = vector.broadcast %sub3A_652 : i32 to vector<16xi32>
              %sub3A_654 = arith.subi %sub3A_653, %shift_right_arithmetic3A_651 : vector<16xi32>
              %bitcast_convert_type3A_655 = tpu.bitcast %sub3A_654 : vector<16xi32> -> vector<16xf32>
              %mul3A_656 = arith.constant 5.000000e-01 : f32
              %mul3A_657 = vector.broadcast %mul3A_656 : f32 to vector<16xf32>
              %mul3A_658 = arith.mulf %mul3A_657, %max3A_647 : vector<16xf32>
              %mul3A_659 = arith.mulf %mul3A_658, %bitcast_convert_type3A_655 : vector<16xf32>
              %mul3A_660 = arith.mulf %mul3A_659, %bitcast_convert_type3A_655 : vector<16xf32>
              %sub3A_661 = arith.constant 1.500000e+00 : f32
              %sub3A_662 = vector.broadcast %sub3A_661 : f32 to vector<16xf32>
              %sub3A_663 = arith.subf %sub3A_662, %mul3A_660 : vector<16xf32>
              %mul3A_664 = arith.mulf %bitcast_convert_type3A_655, %sub3A_663 : vector<16xf32>
              %mul3A_665 = arith.constant 5.000000e-01 : f32
              %mul3A_666 = vector.broadcast %mul3A_665 : f32 to vector<16xf32>
              %mul3A_667 = arith.mulf %mul3A_666, %max3A_647 : vector<16xf32>
              %mul3A_668 = arith.mulf %mul3A_667, %mul3A_664 : vector<16xf32>
              %mul3A_669 = arith.mulf %mul3A_668, %mul3A_664 : vector<16xf32>
              %sub3A_670 = arith.constant 1.500000e+00 : f32
              %sub3A_671 = vector.broadcast %sub3A_670 : f32 to vector<16xf32>
              %sub3A_672 = arith.subf %sub3A_671, %mul3A_669 : vector<16xf32>
              %mul3A_673 = arith.mulf %mul3A_664, %sub3A_672 : vector<16xf32>
              %mul3A_674 = arith.constant 5.000000e-01 : f32
              %mul3A_675 = vector.broadcast %mul3A_674 : f32 to vector<16xf32>
              %mul3A_676 = arith.mulf %mul3A_675, %max3A_647 : vector<16xf32>
              %mul3A_677 = arith.mulf %mul3A_676, %mul3A_673 : vector<16xf32>
              %mul3A_678 = arith.mulf %mul3A_677, %mul3A_673 : vector<16xf32>
              %sub3A_679 = arith.constant 1.500000e+00 : f32
              %sub3A_680 = vector.broadcast %sub3A_679 : f32 to vector<16xf32>
              %sub3A_681 = arith.subf %sub3A_680, %mul3A_678 : vector<16xf32>
              %mul3A_682 = arith.mulf %mul3A_673, %sub3A_681 : vector<16xf32>
              %mul3A_683 = arith.mulf %max3A_647, %mul3A_682 : vector<16xf32>
              %mul3A_684 = arith.constant 2.500000e-01 : f32
              %mul3A_685 = vector.broadcast %mul3A_684 : f32 to vector<16xf32>
              %mul3A_686 = arith.mulf %mul3A_683, %mul3A_685 : vector<16xf32>
              %sub3A_687 = vector.broadcast %convert_element_type3A_491 : f32 to vector<16xf32>
              %sub3A_688 = arith.subf %sub3A_687, %get3A_368 : vector<16xf32>
              %abs3A_689 = math.absf %sub3A_688 : vector<16xf32>
              %mul3A_690 = arith.constant 4.000000e+00 : f32
              %mul3A_691 = vector.broadcast %mul3A_690 : f32 to vector<16xf32>
              %mul3A_692 = arith.mulf %mul3A_691, %abs3A_689 : vector<16xf32>
              %add3A_693 = arith.addf %mul3A_686, %mul3A_692 : vector<16xf32>
              %min3A_694 = arith.minimumf %scan3A_456, %add3A_693 : vector<16xf32>
              scf.yield %min3A_541, %min3A_592, %min3A_643, %min3A_694 : vector<16xf32>, vector<16xf32>, vector<16xf32>, vector<16xf32>
            }
            %scan3A_451 = arith.constant 8 : i32
            scf.yield %scan3A_450#0, %scan3A_450#1, %scan3A_450#2, %scan3A_450#3 : vector<16xf32>, vector<16xf32>, vector<16xf32>, vector<16xf32>
          } else {
            scf.yield %while3A_430#0, %while3A_430#1, %while3A_430#2, %while3A_430#3 : vector<16xf32>, vector<16xf32>, vector<16xf32>, vector<16xf32>
          }
          %add3A_442 = arith.addf %scan3A_317, %cond3A_441#0 : vector<16xf32>
          %add3A_443 = arith.addf %add3A_442, %cond3A_441#1 : vector<16xf32>
          %add3A_444 = arith.addf %add3A_443, %cond3A_441#2 : vector<16xf32>
          %add3A_445 = arith.addf %add3A_444, %cond3A_441#3 : vector<16xf32>
          scf.yield %add3A_445 : vector<16xf32>
        }
        %scan3A_315 = arith.constant 8 : i32
        scf.yield %scan3A_314 : vector<16xf32>
      }
      %scan3A_264 = arith.constant 2 : i32
      %reduce_sum3A_265 = arith.constant true
      %reduce_sum3A_266 = vector.broadcast %reduce_sum3A_265 : i1 to vector<16xi1>
      %reduce_sum3A_267 = tpu.scan <sum>, %scan3A_263 masked %reduce_sum3A_266 : vector<16xf32>, vector<16xi1> -> vector<16xf32>
      %reduce_sum3A_268 = vector.extract %reduce_sum3A_267[15] : f32 from vector<16xf32>
      %bitcast_convert_type3A_269 = arith.bitcast %add3A_256 : f32 to i32
      %shift_right_arithmetic3A_270 = arith.constant 1 : i32
      %shift_right_arithmetic3A_271 = arith.shrsi %bitcast_convert_type3A_269, %shift_right_arithmetic3A_270 : i32
      %sub3A_272 = arith.constant 1597463007 : i32
      %sub3A_273 = arith.subi %sub3A_272, %shift_right_arithmetic3A_271 : i32
      %bitcast_convert_type3A_274 = arith.bitcast %sub3A_273 : i32 to f32
      %mul3A_275 = arith.constant 5.000000e-01 : f32
      %mul3A_276 = arith.mulf %mul3A_275, %add3A_256 : f32
      %mul3A_277 = arith.mulf %mul3A_276, %bitcast_convert_type3A_274 : f32
      %mul3A_278 = arith.mulf %mul3A_277, %bitcast_convert_type3A_274 : f32
      %sub3A_279 = arith.constant 1.500000e+00 : f32
      %sub3A_280 = arith.subf %sub3A_279, %mul3A_278 : f32
      %mul3A_281 = arith.mulf %bitcast_convert_type3A_274, %sub3A_280 : f32
      %mul3A_282 = arith.constant 5.000000e-01 : f32
      %mul3A_283 = arith.mulf %mul3A_282, %add3A_256 : f32
      %mul3A_284 = arith.mulf %mul3A_283, %mul3A_281 : f32
      %mul3A_285 = arith.mulf %mul3A_284, %mul3A_281 : f32
      %sub3A_286 = arith.constant 1.500000e+00 : f32
      %sub3A_287 = arith.subf %sub3A_286, %mul3A_285 : f32
      %mul3A_288 = arith.mulf %mul3A_281, %sub3A_287 : f32
      %mul3A_289 = arith.constant 5.000000e-01 : f32
      %mul3A_290 = arith.mulf %mul3A_289, %add3A_256 : f32
      %mul3A_291 = arith.mulf %mul3A_290, %mul3A_288 : f32
      %mul3A_292 = arith.mulf %mul3A_291, %mul3A_288 : f32
      %sub3A_293 = arith.constant 1.500000e+00 : f32
      %sub3A_294 = arith.subf %sub3A_293, %mul3A_292 : f32
      %mul3A_295 = arith.mulf %mul3A_288, %sub3A_294 : f32
      %mul3A_296 = arith.mulf %mul3A_295, %mul3A_295 : f32
      %mul3A_297 = arith.mulf %reduce_sum3A_268, %mul3A_296 : f32
      %eq3A = vector.broadcast %scan3A_8 : i32 to vector<16xi32>
      %eq3A_298 = arith.cmpi eq, %iota3A, %eq3A : vector<16xi32>
      %broadcast_in_dim3A_299 = vector.broadcast %mul3A_297 : f32 to vector<16xf32>
      %select_n3A = arith.select %eq3A_298, %broadcast_in_dim3A_299, %scan3A_9 : vector<16xi1>, vector<16xf32>
      scf.yield %select_n3A : vector<16xf32>
    }
    %scan3A_6 = arith.constant 4 : i32
    %swap3A = arith.constant 0 : index
    %swap3A_7 = tpu.vector_load %arg23[%swap3A] {strides = array<i32>} : memref<16xf32, #tpu.memory_space<vmem>>, vector<16xf32>,
    tpu.vector_store %arg23[%swap3A], %scan3A_5 {strides = array<i32>} : memref<16xf32, #tpu.memory_space<vmem>>, vector<16xf32>,
    "tpu.region"() ({
      %run_scoped3A = tpu.sem_alloc : memref<!tpu.dma_semaphore, #tpu.memory_space<semaphore_mem>>
      %dma_start3A = arith.constant 0 : i32
      %dma_start3A_8 = tpu.memref_slice %arg10[%add3A, %dma_start3A] : memref<32x16xf32, #tpu.memory_space<hbm>> -> memref<1x16xf32, #tpu.memory_space<hbm>>
      %dma_start3A_9 = tpu.memref_squeeze %dma_start3A_8 : memref<1x16xf32, #tpu.memory_space<hbm>> -> memref<16xf32, #tpu.memory_space<hbm>>
      %dma_start3A_10 = arith.constant 0 : i32
      %dma_start3A_11 = tpu.memref_slice %arg10[%add3A, %dma_start3A_10] : memref<32x16xf32, #tpu.memory_space<hbm>> -> memref<1x16xf32, #tpu.memory_space<hbm>>
      %dma_start3A_12 = tpu.memref_squeeze %dma_start3A_11 : memref<1x16xf32, #tpu.memory_space<hbm>> -> memref<16xf32, #tpu.memory_space<hbm>>
      tpu.enqueue_dma source(%arg23 : memref<16xf32, #tpu.memory_space<vmem>>) target(%dma_start3A_12 : memref<16xf32, #tpu.memory_space<hbm>>) target_semaphore(%run_scoped3A : memref<!tpu.dma_semaphore, #tpu.memory_space<semaphore_mem>>)
      %dma_wait3A = arith.constant 0 : i32
      %dma_wait3A_13 = tpu.memref_slice %arg10[%add3A, %dma_wait3A] : memref<32x16xf32, #tpu.memory_space<hbm>> -> memref<1x16xf32, #tpu.memory_space<hbm>>
      %dma_wait3A_14 = tpu.memref_squeeze %dma_wait3A_13 : memref<1x16xf32, #tpu.memory_space<hbm>> -> memref<16xf32, #tpu.memory_space<hbm>>
      %dma_wait3A_15 = arith.constant 0 : i32
      %dma_wait3A_16 = tpu.memref_slice %arg10[%add3A, %dma_wait3A_15] : memref<32x16xf32, #tpu.memory_space<hbm>> -> memref<1x16xf32, #tpu.memory_space<hbm>>
      %dma_wait3A_17 = tpu.memref_squeeze %dma_wait3A_16 : memref<1x16xf32, #tpu.memory_space<hbm>> -> memref<16xf32, #tpu.memory_space<hbm>>
      tpu.wait_dma2 semaphore(%run_scoped3A : memref<!tpu.dma_semaphore, #tpu.memory_space<semaphore_mem>>) src(%arg23 : memref<16xf32, #tpu.memory_space<vmem>>) dst(%dma_wait3A_17 : memref<16xf32, #tpu.memory_space<hbm>>)
      tpu.yield
    }) : () -> ()
    return
  }
}

</mosaic_0001>

<sc_bundles>
// kernel: kernel.3.cloned.1.call-start
scs
__scs_entry_jumppad:
0x0: {  	(pc) =	sbr.rel $0x88, $3  }
0x1: {  	(tag) =	ssettag $0x0;
	lr =	simm.s32 $0x1  }
0x2: {  	[smem:$0x3F9C] =	sst lr;
	_ =	strace $0xD0000000  }
0x3: {  	_ = 	snop  }
0x4: {  	_ = 	snop  }
0x5: {  	_ = 	snop  }
0x6: {  	_ = 	snop  }
0x7: {  	_ = 	snop  }
__scs_overlays_trampoline_lowered:
0x8: {  	[smem:$0x3FAB] =	sst s0  }
0x9: {  	[smem:$0x3FAC] =	sst s1  }
0xa: {  	[smem:$0x3FAD] =	sst s2  }
0xb: {  	[smem:$0x3FAE] =	sst s3  }
0xc: {  	[smem:$0x3FAF] =	sst s4  }
0xd: {  	[smem:$0x3FB0] =	sst s5  }
0xe: {  	[smem:$0x3FB1] =	sst s6  }
0xf: {  	[smem:$0x3FB2] =	sst s7  }
0x10: {  	[smem:$0x3FB3] =	sst s8  }
0x11: {  	[smem:$0x3FB4] =	sst s9;
	s0 =	simm.s32 @!p0 $0x0  }
0x12: {  	s1 =	sld [smem:$0x3F9A];
	s0 =	simm.s32 @p0 $0x1  }
0x13: {  	[smem:$0x3FB5] =	sst s0;
	s0 =	simm.s32 @!p1 $0x0  }
0x14: {  	s2 =	sld [smem:$0x3F99];
	s0 =	simm.s32 @p1 $0x1  }
0x15: {  	[smem:$0x3FB6] =	sst s0;
	s0 =	simm.s32 @!p2 $0x0  }
0x16: {  	s3 =	sld [smem:$0x3FDB];
	s0 =	simm.s32 @p2 $0x1  }
0x17: {  	s4 =	simm.s32 $0x1BF5;
	[smem:$0x3FB8] =	sst s0  }
0x18: {  	s0 =	sld [smem:$0x3F9B];
	_ =	swait.ge [sflag:s4], $0x0  }
0x19: {  	s7 =	sld [smem:$0x3F9C]  }
0x1a: {  	s8 =	sadd.s32 $0xFFFFE003, lr  }
0x1b: {  	s9 =	sadd.s32 $0xFFFFFEF7, lr;
	s5 =	simm.s32 $0xFFFFFFFF;
	p2 =	slt.u32 s8, $0xFFFFF086  }
0x1c: {  	p1 =	slt.u32 s9, $0xF7A;
	s5 =	simm.s32 @!p2 $0x0  }
0x1d: {  	s5 =	simm.s32 @p1 $0x1;
	p0 =	seq.s32 s7, s2  }
0x1e: {  	s7 =	smul.u32 @!p0 $0xF7A, s2;
	p2 =	seq.s32 @!p0 s5, $0x0  }
0x1f: {  	s9 =	smul.u32 $0xF7A, s1;
	s8 =	simm.s32 @!p0 $0x1BF5;
	p2 =	por !p2, p0  }
0x20: {  	[sflag:s8] =	ssyncset.s32 @!p0 $0xFFFFF086;
	s6 =	sadd.s32 @!p0 s3, s7;
	s7 =	simm.s32 @!p0 $0x108  }
0x21: {  	s3 =	sadd.s32 s3, s9;
	s6 =	sadd.s32 @!p0 $0x88, s6;
	s7 =	simm.s32 @p2 $0x1082  }
0x22: {  	[simem:s7], [sflag:s8] =	dma.local @!p0 [hbm:s6], $0xF7A  }
0x23: {  	s9 =	sor.u32 $0xD0000000, s2;
	s6 =	simm.s32 $0x108;
	_ =	swait.ge @!p0 [sflag:s8], $0x0  }
0x24: {  	s3 =	sadd.s32 $0x88, s3;
	s6 =	simm.s32 @!p1 $0x1082;
	[sflag:s4] =	ssyncset.s32 $0xFFFFF086  }
0x25: {  	[simem:s6], [sflag:s4] =	dma.local [hbm:s3], $0xF7A  }
0x26: {  	[smem:$0x3F9C] =	sst s1;
	(tag) =	ssettag s2;
	_ =	strace s9  }
0x27: {  	s1 =	sld [smem:$0x3FAC]  }
0x28: {  	s2 =	sld [smem:$0x3FAD]  }
0x29: {  	s4 =	sld [smem:$0x3FAF]  }
0x2a: {  	p0 =	seq.s32 s5, $0x0;
	s5 =	sld [smem:$0x3FB0]  }
0x2b: {  	s6 =	sld [smem:$0x3FB1]  }
0x2c: {  	s7 =	sld [smem:$0x3FB2]  }
0x2d: {  	s3 =	simm.s32 $0x108;
	s8 =	sld [smem:$0x3FB3]  }
0x2e: {  	s3 =	simm.s32 @!p0 $0x1082;
	s9 =	sld [smem:$0x3FB4]  }
0x2f: {  	lr =	sadd.s32 s0, s3;
	s0 =	sld [smem:$0x3FAB]  }
0x30: {  	s3 =	sld [smem:$0x3FAE]  }
0x31: {  	[smem:$0x3FB7] =	sst s10  }
0x32: {  	s10 =	sld [smem:$0x3FB5];
	_ =	sdelay $0x3  }
0x33: {  	p0 =	seq.s32 s10, $0x1;
	s10 =	sld [smem:$0x3FB7];
	_ =	sdelay $0x3  }
0x34: {  	[smem:$0x3FB7] =	sst s10  }
0x35: {  	s10 =	sld [smem:$0x3FB6];
	_ =	sdelay $0x3  }
0x36: {  	p1 =	seq.s32 s10, $0x1;
	s10 =	sld [smem:$0x3FB7];
	_ =	sdelay $0x3  }
0x37: {  	[smem:$0x3FB7] =	sst s10  }
0x38: {  	s10 =	sld [smem:$0x3FB8]  }
0x39: {  	_ = 	snop;
	(pc) =	sbr.ind lr, $3  }
0x3a: {  	_ = 	snop  }
0x3b: {  	_ = 	snop  }
0x3c: {  	p2 =	seq.s32 s10, $0x1;
	s10 =	sld [smem:$0x3FB7]  }
0x3d: {  	_ =	shalt  }
0x3e: {  	_ =	shalt  }
0x3f: {  	_ =	shalt  }
0x40: {  	_ =	shalt  }
0x41: {  	_ =	shalt  }
0x42: {  	_ =	shalt  }
0x43: {  	_ =	shalt  }
0x44: {  	_ =	shalt  }
0x45: {  	_ =	shalt  }
0x46: {  	_ =	shalt  }
0x47: {  	_ =	shalt  }
0x48: {  	_ =	shalt  }
0x49: {  	_ =	shalt  }
0x4a: {  	_ =	shalt  }
0x4b: {  	_ =	shalt  }
0x4c: {  	_ =	shalt  }
0x4d: {  	_ =	shalt  }
0x4e: {  	_ =	shalt  }
0x4f: {  	_ =	shalt  }
0x50: {  	_ =	shalt  }
0x51: {  	_ =	shalt  }
0x52: {  	_ =	shalt  }
0x53: {  	_ =	shalt  }
0x54: {  	_ =	shalt  }
0x55: {  	_ =	shalt  }
0x56: {  	_ =	shalt  }
0x57: {  	_ =	shalt  }
0x58: {  	_ =	shalt  }
0x59: {  	_ =	shalt  }
0x5a: {  	_ =	shalt  }
0x5b: {  	_ =	shalt  }
0x5c: {  	_ =	shalt  }
0x5d: {  	_ =	shalt  }
0x5e: {  	_ =	shalt  }
0x5f: {  	_ =	shalt  }
0x60: {  	_ =	shalt  }
0x61: {  	_ =	shalt  }
0x62: {  	_ =	shalt  }
0x63: {  	_ =	shalt  }
0x64: {  	_ =	shalt  }
0x65: {  	_ =	shalt  }
0x66: {  	_ =	shalt  }
0x67: {  	_ =	shalt  }
0x68: {  	_ =	shalt  }
0x69: {  	_ =	shalt  }
0x6a: {  	_ =	shalt  }
0x6b: {  	_ =	shalt  }
0x6c: {  	_ =	shalt  }
0x6d: {  	_ =	shalt  }
0x6e: {  	_ =	shalt  }
0x6f: {  	_ =	shalt  }
0x70: {  	_ =	shalt  }
0x71: {  	_ =	shalt  }
0x72: {  	_ =	shalt  }
0x73: {  	_ =	shalt  }
0x74: {  	_ =	shalt  }
0x75: {  	_ =	shalt  }
0x76: {  	_ =	shalt  }
0x77: {  	_ =	shalt  }
0x78: {  	_ =	shalt  }
0x79: {  	_ =	shalt  }
0x7a: {  	_ =	shalt  }
0x7b: {  	_ =	shalt  }
0x7c: {  	_ =	shalt  }
0x7d: {  	_ =	shalt  }
0x7e: {  	_ =	shalt  }
0x7f: {  	_ =	shalt  }
0x80: {  	_ =	shalt  }
0x81: {  	_ =	shalt  }
0x82: {  	_ =	shalt  }
0x83: {  	_ =	shalt  }
0x84: {  	_ =	shalt  }
0x85: {  	_ =	shalt  }
0x86: {  	_ =	shalt  }
0x87: {  	_ =	shalt  }
.Lfunc_end0:
.L_simem_size_0:
called_computation_lowered:
.L_overlay_start_0:
0x88: {  	s2 =	sld [smem:$0x3FD9]  }
0x89: {  	s3 =	sld [smem:$0x3FFE];
	_ =	sdelay $0x1  }
0x8a: {  	s1 =	srdreg.scid  }
0x8b: {  	s0 =	sand.u32 $0x1, s1  }
0x8c: {  	s17 =	sshll.u32 s0, $0xA;
	s2 =	sadd.s32 s3, s2  }
0x8d: {  	s2 =	sadd.s32 s2, s17  }
0x8e: {  	[smem:$0x3FC3] =	sst s2  }
0x8f: {  	_ = 	snop  }
0x90: {  	s2 =	sld [smem:$0x3FC6]  }
0x91: {  	s18 =	sld [smem:$0x3FC5];
	(tm) =	ssettm $0x1  }
0x92: {  	s4 =	sld [smem:$0x3FFB];
	_ =	sdelay $0x3  }
0x93: {  	_ =	strace s4  }
0x94: {  	s4 =	sld [smem:$0x3FFC];
	_ =	sdelay $0x3  }
0x95: {  	_ =	strace s4  }
0x96: {  	s4 =	sld [smem:$0x3FFD];
	_ =	sdelay $0x3  }
0x97: {  	_ =	strace s4  }
0x98: {  	_ =	strace $0x8FFFFFFF  }
0x99: {  	s19 =	sld [smem:$0x3FDB];
	_ =	sdelay $0x1  }
0x9a: {  	s5 =	simm.s32 $_scs_section_size  }
0x9b: {  	s6 =	simm.s32 $_size__tile_overlayer_lowered;
	s7 =	simm.s32 $_tile_overlayer_lowered  }
0x9c: {  	s22 =	simm.s32 $0x1BFF;
	s21 =	sshll.u32 s7, $0x1;
	s4 =	sadd.s32 s5, s19  }
0x9d: {  	s8 =	simm.s32 $0x0;
	s20 =	sshll.u32 s6, $0x1;
	s6 =	sadd.s32 s21, s4  }
0x9e: {  	[timem:s8], [sflag:s22] =	dma.local [hbm:s6], s20  }
0x9f: {  	_ =	swait.ge [sflag:s22], s20  }
0xa0: {  	s5 =	ssub.s32 $0x0, s20;
	[sflag:s22] =	ssyncset.done $0x0  }
0xa1: {  	[sflag:s22] =	ssyncadd.s32 s5;
	_ =	sdelay $0x1  }
0xa2: {  	s23 =	simm.s32 $0x1B8B  }
0xa3: {  	_ =	swait.ge [sflag:s23], $0x1  }
0xa4: {  	[sflag:s23] =	ssyncset.done $0x0  }
0xa5: {  	s25 =	simm.s32 $0x1B8E;
	s24 =	sld [smem:$0x3FFE];
	[sflag:s23] =	ssyncadd.s32 $0xFFFFFFFF  }
0xa6: {  	s26 =	simm.s32 $execute0_lowered;
	[smem:$0x3FD2] =	sst s25  }
0xa7: {  	s6 =	sshll.u32 s26, $0x1;
	_ =	strace $0x80000046;
	[dreg:$0x1] =	wrdreg $0xFFFFFFFF  }
0xa8: {  	s28 =	simm.s32 $_size_execute0_lowered;
	s4 =	sadd.s32 s4, s6;
	[dreg:$0x0] =	wrdreg $0x0  }
0xa9: {  	s6 =	sshll.u32 s28, $0x1;
	[dreg:$0x2] =	wrdreg s4  }
0xaa: {  	[dreg:$0x3] =	wrdreg s6  }
0xab: {  	[dreg:$0x4] =	wrdreg $0xC0  }
0xac: {  	_ =	task [dreg:s8], $0x5FFFF  }
0xad: {  	[dreg:$0x1] =	wrdreg $0xFFFFFFFF  }
0xae: {  	[dreg:$0x0] =	wrdreg $0x60  }
0xaf: {  	[dreg:$0x2] =	wrdreg s24  }
0xb0: {  	[dreg:$0x3] =	wrdreg s2  }
0xb1: {  	[dreg:$0x4] =	wrdreg s18  }
0xb2: {  	[dreg:$0x5] =	wrdreg $0x9  }
0xb3: {  	_ =	task.clear_ibuf [dreg:s8], $0x6FFFF;
	_ =	strace $0x90000046  }
0xb4: {  	s29 =	simm.s32 $0x9;
	_ =	strace $0x80000048  }
0xb5: {  	_ =	swait.ge [sflag:s29], $0x1  }
0xb6: {  	[sflag:s29] =	ssyncadd.s32 $0xFFFFFFFF  }
0xb7: {  	_ =	strace $0x90000048  }
0xb8: {  	_ =	sfence  }
0xb9: {  	s30 =	sld [smem:$0x0];
	_ =	sdelay $0x2  }
0xba: {  	s31 =	sshll.u32 s1, $0xD;
	s1 =	sshrl.u32 s1, $0x2  }
0xbb: {  	s3 =	sand.u32 $0x4000, s31;
	s1 =	sadd.s32 s1, s30  }
0xbc: {  	s0 =	sor.u32 s3, s0;
	s1 =	sshll.u32 s1, $0x11  }
0xbd: {  	s0 =	sor.u32 s1, s0  }
0xbe: {  	s0 =	sadd.s32 $0x8F2B, s0  }
0xbf: {  	[sflag:s0] =	ssyncadd.remote.s32 $0x1  }
0xc0: {  	_ =	sfence.sel $0xFFFF  }
0xc1: {  	[dreg:$0x0] =	wrdreg $0xFFFFFFFF;
	(pc) =	sbr.abs _section_cstart, $3  }
0xc2: {  	[dreg:$0x1] =	wrdreg $0xFFFFFFFF  }
0xc3: {  	_ =	task.clear_ibuf [dreg:s8], $0x2FFFF;
	_ =	strace $0x9FFFFFFF  }
0xc4: {  	(tm) =	ssettm $0x7FFFFFFF  }
0xc5: {  	_ =	shalt  }
tec
execute0_lowered:
.L_overlay_start_1:
0x0: {  	(tag) =	ssettag $0x1  }
0x1: {  	s3 =	rddreg [dreg:$0x0];
	s4 =	simm.s32 $0x0;
	s20 =	srdreg.scid  }
0x2: {  	s5 =	stileid.u32;
	s18 =	simm.s32 $0x80;
	s19 =	simm.s32 $0x400  }
0x3: {  	s28 =	simm.s32 $0x1200;
	s29 =	simm.s32 $0x1E00;
	s30 =	simm.s32 $0x2200  }
0x4: {  	s31 =	simm.s32 $0x2600;
	[smem:$0x7FF] =	sst s4;
	s0 =	sadd.s32 $0x4000, s3  }
0x5: {  	s1 =	sadd.s32 $0xC000, s3;
	s21 =	sadd.s32 $0xA000, s3;
	s22 =	sadd.s32 $0x8000, s3  }
0x6: {  	s10 =	sadd.s32 $0x9800, s3;
	s12 =	sshll.u32 s5, $0xD;
	s13 =	sshll.u32 s5, $0xC  }
0x7: {  	s25 =	sshll.u32 s5, $0x5;
	_ =	strace $0x80000047;
	[dreg:$0x4] =	wrdreg s0  }
0x8: {  	s14 =	smul.u32 $0xC00, s5;
	[dreg:$0x5] =	wrdreg s1;
	s0 =	sand.u32 $0x1, s20  }
0x9: {  	s15 =	sshll.u32 s5, $0xA;
	[dreg:$0x6] =	wrdreg s21;
	s23 =	sshll.u32 s0, $0x4  }
.Ltmp0:
0xa: {  	s2 =	ssub.s32 $0x2, s0;
	s1 =	sadd.s32 s23, s3;
	(pc) =	sbr.rel .LBB2_1-.Ltmp0, $4  }
0xb: {  	s11 =	sshll.u32 s0, $0x9;
	s24 =	sshrl.u32 s2, $0x1;
	s0 =	sadd.s32 s25, s1  }
0xc: {  	[dreg:$0x7] =	wrdreg s22;
	s2 =	ssub.s32 s2, s24;
	s0 =	sadd.s32 $0xE000, s0  }
0xd: {  	s20 =	simm.s32 $0x800;
	s26 =	smax.u32 s2, $0x1;
	[dreg:$0x8] =	wrdreg s0  }
0xe: {  	v0 =	vlaneseq.u32;
	s2 =	simm.s32 $0x0;
	[dreg:$0x9] =	wrdreg s26;
	s26 =	simm.s32 $0x1  }
.LBB2_34:
0xf: {  	[tilespmem:$0x2E00] =	vst v1;
	s0 =	rddreg [dreg:$0x8];
	s1 =	simm.s32 $0x2E00;
	s24 =	simm.s32 $0x2  }
0x10: {  	[hbm4b:s0+s4] =	stream.linear.scatter [tilespmem:s1], [sflag:$0x2], $0x80, $0x38;
	[tilespmem:$0x2E80] =	vst v63  }
0x11: {  	_ =	swait.ge [sflag:s24], $0x80  }
0x12: {  	s2 =	rddreg [dreg:$0xa]  }
0x13: {  	s25 =	rddreg [dreg:$0x9];
	s2 =	sadd.s32 $0x1, s2  }
0x14: {  	p0 =	sne.s32 s2, s25  }
.Ltmp1:
0x15: {  	_ = 	snop;
	(pc) =	sbr.rel @!p0 .LBB2_35-.Ltmp1, $3  }
0x16: {  	_ =	sdelay $0x1  }
0x17: {  	[sflag:s24] =	ssyncset.done $0x0  }
0x18: {  	[sflag:s24] =	ssyncadd.s32 $0xFFFFFF80  }
.LBB2_1:
.Ltmp2:
0x19: {  	(pc) =	sbr.rel .LBB2_2-.Ltmp2, $2  }
0x1a: {  	_ =	sdelay $0x2  }
0x1b: {  	[dreg:$0xa] =	wrdreg s2;
	v1 =	vimm.f32 $0.0e+00;
	s16 =	simm.s32 $0x0  }
.LBB2_33:
0x1c: {  	v0 =	vld [tilespmem:$0x1FFE0];
	_ =	sdelay $0x4  }
0x1d: {  	(xrf2) =	vadd.scan.msk.f32 $0xffff, v0;
	_ =	sdelay $0x9  }
0x1e: {  	v0, _, _ =	vpop (xrf2)  }
0x1f: {  	(v2sf) =	vpush v0, $0xF;
	_ =	sdelay $0xe  }
0x20: {  	s0 =	spop (v2sf)  }
0x21: {  	s0 =	smul.f32 $1.600000000e+01, s0;
	_ =	sdelay $0x1  }
0x22: {  	s0 =	sadd.f32 $4.096000000e+03, s0;
	_ =	sdelay $0x1  }
0x23: {  	s1 =	sshra.s32 s0, $0x1;
	s0 =	smul.f32 $5.000000000e-01, s0  }
0x24: {  	s1 =	ssub.s32 $0x5F3759DF, s1  }
0x25: {  	(xrf2) =	vadd.scan.msk.f32 $0xffff, v2;
	s2 =	smul.f32 s1, s0;
	_ =	sdelay $0x1  }
0x26: {  	s2 =	smul.f32 s1, s2;
	_ =	sdelay $0x1  }
0x27: {  	s2 =	ssub.f32 $1.500000000e+00, s2;
	_ =	sdelay $0x1  }
0x28: {  	s1 =	smul.f32 s1, s2;
	_ =	sdelay $0x1  }
0x29: {  	s2 =	smul.f32 s1, s0;
	_ =	sdelay $0x1  }
0x2a: {  	v0, _, _ =	vpop (xrf2);
	s2 =	smul.f32 s2, s1  }
0x2b: {  	(v2sf) =	vpush v0, $0xF  }
0x2c: {  	s2 =	ssub.f32 $1.500000000e+00, s2;
	_ =	sdelay $0x1  }
0x2d: {  	s1 =	smul.f32 s2, s1;
	_ =	sdelay $0x1  }
0x2e: {  	s0 =	smul.f32 s1, s0;
	_ =	sdelay $0x1  }
0x2f: {  	s0 =	smul.f32 s0, s1;
	_ =	sdelay $0x1  }
0x30: {  	s0 =	ssub.f32 $1.500000000e+00, s0;
	_ =	sdelay $0x1  }
0x31: {  	s0 =	smul.f32 s0, s1  }
0x32: {  	v1 =	vlaneseq.u32;
	v0 =	vmov s16;
	s16 =	sadd.s32 $0x1, s16  }
0x33: {  	vm0 =	veq.s32 v0, v1;
	p0 =	sne.s32 s16, $0x4;
	v1 =	vld [tilespmem:$0x1FFF0];
	s0 =	smul.f32 s0, s0  }
.Ltmp3:
0x34: {  	_ = 	snop;
	(pc) =	sbr.rel @!p0 .LBB2_34-.Ltmp3, $3  }
0x35: {  	s25 =	spop (v2sf)  }
0x36: {  	s0 =	smul.f32 s25, s0;
	_ =	sdelay $0x1  }
0x37: {  	v0 =	vlaneseq.u32;
	v1 =	vsel vm0, s0, v1  }
.LBB2_2:
0x38: {  	s0 =	sshll.u32 s16, $0x7  }
0x39: {  	s0 =	sadd.s32 s11, s0  }
0x3a: {  	s1 =	sadd.s32 s12, s0  }
0x3b: {  	s2 =	rddreg [dreg:$0x0];
	s1 =	sshrl.u32 s1, $0x3  }
0x3c: {  	s22 =	rddreg [dreg:$0x4];
	s2 =	sadd.s32 s2, s1  }
0x3d: {  	[tilespmem:s4], [sflag:$0x1] =	stream.strided.gather [hbm4b:s2+s18], $0x400, s19, s18, $0x38;
	[tilespmem:$0x2E80] =	vst v63  }
0x3e: {  	s23 =	sadd.s32 s13, s0;
	s1 =	sadd.s32 s22, s1  }
0x3f: {  	[tilespmem:s19], [sflag:$0x1] =	stream.strided.gather [hbm4b:s1+s18], $0x400, s19, s18, $0x38;
	[tilespmem:$0x2E80] =	vst v63  }
0x40: {  	s24 =	rddreg [dreg:$0x1];
	s1 =	sshrl.u32 s23, $0x3  }
0x41: {  	s25 =	rddreg [dreg:$0x2];
	s2 =	sadd.s32 s24, s1  }
0x42: {  	[tilespmem:s20], [sflag:$0x1] =	stream.strided.gather [hbm4b:s2+s18], $0x200, s19, s18, $0x38;
	[tilespmem:$0x2E80] =	vst v63  }
0x43: {  	s3 =	simm.s32 $0xA00;
	s2 =	sadd.s32 s25, s1  }
0x44: {  	[tilespmem:s3], [sflag:$0x1] =	stream.strided.gather [hbm4b:s2+s18], $0x200, s19, s18, $0x38;
	[tilespmem:$0x2E80] =	vst v63  }
0x45: {  	s3 =	rddreg [dreg:$0x5]  }
0x46: {  	s5 =	simm.s32 $0xC00;
	s6 =	rddreg [dreg:$0x6];
	s2 =	sadd.s32 s3, s1  }
0x47: {  	[tilespmem:s5], [sflag:$0x1] =	stream.strided.gather [hbm4b:s2+s18], $0x200, s19, s18, $0x38;
	[tilespmem:$0x2E80] =	vst v63  }
0x48: {  	s7 =	simm.s32 $0xE00;
	s8 =	sadd.s32 s14, s0;
	s1 =	sadd.s32 s6, s1  }
0x49: {  	[tilespmem:s7], [sflag:$0x1] =	stream.strided.gather [hbm4b:s1+s18], $0x200, s19, s18, $0x38;
	[tilespmem:$0x2E80] =	vst v63  }
0x4a: {  	s9 =	rddreg [dreg:$0x7];
	s0 =	sadd.s32 s15, s0;
	s1 =	sshrl.u32 s8, $0x3  }
0x4b: {  	s17 =	simm.s32 $0x1080;
	s0 =	sshrl.u32 s0, $0x3;
	s1 =	sadd.s32 s9, s1  }
0x4c: {  	[tilespmem:s17], [sflag:$0x1] =	stream.strided.gather [hbm4b:s1+s18], $0x180, s19, s18, $0x38;
	[tilespmem:$0x2E80] =	vst v63  }
0x4d: {  	[tilespmem:$0x1FFF0] =	vst v1;
	s21 =	simm.s32 $0x1000;
	s0 =	sadd.s32 s10, s0  }
0x4e: {  	[tilespmem:s21], [sflag:$0x1] =	stream.linear.gather [hbm4b:s0+s4], $0x80, $0x38;
	[tilespmem:$0x2E80] =	vst v63  }
0x4f: {  	_ =	swait.ge [sflag:s26], $0x400  }
0x50: {  	[sflag:s26] =	ssyncset.done $0x0  }
0x51: {  	[sflag:s26] =	ssyncadd.s32 $0xFFFFFC00  }
0x52: {  	_ =	swait.ge [sflag:s26], $0x400  }
0x53: {  	[sflag:s26] =	ssyncset.done $0x0  }
0x54: {  	[sflag:s26] =	ssyncadd.s32 $0xFFFFFC00  }
0x55: {  	_ =	swait.ge [sflag:s26], $0x200  }
0x56: {  	[sflag:s26] =	ssyncset.done $0x0  }
0x57: {  	[sflag:s26] =	ssyncadd.s32 $0xFFFFFE00  }
0x58: {  	_ =	swait.ge [sflag:s26], $0x200  }
0x59: {  	[sflag:s26] =	ssyncset.done $0x0  }
0x5a: {  	[sflag:s26] =	ssyncadd.s32 $0xFFFFFE00  }
0x5b: {  	_ =	swait.ge [sflag:s26], $0x200  }
0x5c: {  	[sflag:s26] =	ssyncset.done $0x0  }
0x5d: {  	[sflag:s26] =	ssyncadd.s32 $0xFFFFFE00  }
0x5e: {  	_ =	swait.ge [sflag:s26], $0x200  }
0x5f: {  	[sflag:s26] =	ssyncset.done $0x0  }
0x60: {  	[sflag:s26] =	ssyncadd.s32 $0xFFFFFE00  }
0x61: {  	_ =	swait.ge [sflag:s26], $0x180  }
0x62: {  	[sflag:s26] =	ssyncset.done $0x0  }
0x63: {  	[sflag:s26] =	ssyncadd.s32 $0xFFFFFE80  }
0x64: {  	_ =	swait.ge [sflag:s26], $0x80  }
0x65: {  	[sflag:s26] =	ssyncset.done $0x0  }
0x66: {  	s22 =	simm.s32 $0xC20;
	[sflag:s26] =	ssyncadd.s32 $0xFFFFFF80  }
0x67: {  	v1 =	vld [tilespmem:s22+$0x0];
	_ =	sdelay $0x1  }
0x68: {  	v5 =	vld [tilespmem:s22+$0xFFFFFFF0]  }
0x69: {  	s23 =	simm.s32 $0x0;
	v3 =	vld [tilespmem:s22+$0xFFFFFFE0]  }
0x6a: {  	s24 =	sand.u32 $0x200, s23;
	s5 =	simm.s32 $0xC60;
	v6 =	vld [tilespmem:s22+$0x10]  }
0x6b: {  	v8 =	vld [tilespmem:s5+$0x0];
	v1 =	vadd.s32 s24, v1;
	_ =	sdelay $0x1  }
0x6c: {  	v2 =	vld [tilespmem:s5+$0xFFFFFFE0];
	v7 =	vadd.s32 s24, v5  }
0x6d: {  	s25 =	simm.s32 $0x20;
	s3 =	simm.s32 $0x4;
	s9 =	simm.s32 $0x40;
	v9 =	vld [tilespmem:s5+$0xFFFFFFF0];
	v3 =	vadd.s32 s24, v3  }
0x6e: {  	v4 =	vor.u32 s23, v0;
	v11 =	vor.u32 s25, v0;
	s2 =	simm.s32 $0x50;
	s17 =	simm.s32 $0x10;
	v5 =	vadd.s32 s24, v6;
	v6 =	vld [tilespmem:s5+$0x10];
	s5 =	sand.u32 $0x200, s9  }
0x6f: {  	s1 =	simm.s32 $0x70;
	v10 =	vor.u32 s9, v0;
	s0 =	simm.s32 $0x30;
	s9 =	simm.s32 $0xCA0;
	v8 =	vadd.s32 s5, v8;
	[tilespmem:v1+s28+$0x0] =	vst.idx.msk $0xffff, v11;
	v1 =	vor.u32 s17, v0  }
.LBB2_3:
0x70: {  	s3 =	sadd.s32 $0x4, s3  }
0x71: {  	v11 =	vld [tilespmem:s9+$0x0];
	[tilespmem:v7+s28+$0x0] =	vst.idx.msk $0xffff, v1;
	p0 =	slt.u32 s3, $0x3C  }
.Ltmp4:
0x72: {  	v1 =	vor.u32 s0, v0;
	s0 =	smov.u32 s1;
	v7 =	vadd.s32 s5, v9;
	[tilespmem:v3+s28+$0x0] =	vst.idx.msk $0xffff, v4;
	v3 =	vadd.s32 s5, v2;
	v2 =	vld [tilespmem:s9+$0xFFFFFFE0];
	v4 =	vmovc v10;
	(pc) =	sbr.rel @p0 .LBB2_3-.Ltmp4, $4  }
0x73: {  	s1 =	sadd.s32 $0x40, s1;
	s17 =	sadd.s32 $0xFFFFFFF0, s0;
	v9 =	vld [tilespmem:s9+$0xFFFFFFF0];
	[tilespmem:v5+s28+$0x0] =	vst.idx.msk $0xffff, v1;
	v5 =	vadd.s32 s5, v6  }
0x74: {  	s21 =	sadd.s32 $0xFFFFFFD0, s1;
	s22 =	sadd.s32 $0xFFFFFFE0, s1;
	v1 =	vor.u32 s17, v0;
	v6 =	vld [tilespmem:s9+$0x10]  }
0x75: {  	s5 =	sand.u32 $0x200, s21;
	v10 =	vor.u32 s21, v0;
	[tilespmem:v8+s28+$0x0] =	vst.idx.msk $0xffff, v1  }
0x76: {  	s9 =	sadd.s32 $0x40, s9;
	v1 =	vor.u32 s2, v0;
	s2 =	smov.u32 s22;
	v8 =	vadd.s32 s5, v11  }
0x77: {  	_ =	sdelay $0x3  }
0x78: {  	[tilespmem:v7+s28+$0x0] =	vst.idx.msk $0xffff, v1;
	v1 =	vadd.s32 s5, v2  }
0x79: {  	v9 =	vadd.s32 s5, v9  }
0x7a: {  	[tilespmem:v3+s28+$0x0] =	vst.idx.msk $0xffff, v4;
	v2 =	vor.u32 s0, v0;
	s23 =	sadd.s32 $0xFFFFFFF0, s1;
	v3 =	vadd.s32 s5, v6  }
0x7b: {  	[tilespmem:v5+s28+$0x0] =	vst.idx.msk $0xffff, v2;
	v2 =	vor.u32 s23, v0  }
0x7c: {  	[tilespmem:v8+s28+$0x0] =	vst.idx.msk $0xffff, v2  }
0x7d: {  	v2 =	vor.u32 s2, v0;
	[tilespmem:v1+s28+$0x0] =	vst.idx.msk $0xffff, v10  }
0x7e: {  	v1 =	vor.u32 s1, v0;
	[tilespmem:v9+s28+$0x0] =	vst.idx.msk $0xffff, v2  }
0x7f: {  	[tilespmem:v3+s28+$0x0] =	vst.idx.msk $0xffff, v1  }
0x80: {  	v1 =	vld [tilespmem:$0x1000];
	_ =	sdelay $0x1  }
0x81: {  	v2 =	vld [tilespmem:$0x1010];
	_ =	sdelay $0x2  }
0x82: {  	v1 =	vmul.f32 $1.000000010e-01, v1;
	_ =	sdelay $0x1  }
0x83: {  	v3 =	vmul.f32 $8.999999760e-01, v2;
	v2 =	vshra.s32 v1, $0x1;
	v4 =	vmul.f32 $5.000000000e-01, v1  }
0x84: {  	v2 =	vsub.s32 $0x5F3759DF, v2  }
0x85: {  	v5 =	vshra.s32 v3, $0x1;
	v6 =	vmul.f32 $5.000000000e-01, v3;
	v7 =	vmul.f32 v2, v4  }
0x86: {  	v5 =	vsub.s32 $0x5F3759DF, v5  }
0x87: {  	v8 =	vmul.f32 v5, v6;
	v7 =	vmul.f32 v2, v7;
	_ =	sdelay $0x1  }
0x88: {  	v8 =	vmul.f32 v5, v8;
	v7 =	vsub.f32 $1.500000000e+00, v7;
	_ =	sdelay $0x1  }
0x89: {  	v8 =	vsub.f32 $1.500000000e+00, v8;
	v2 =	vmul.f32 v2, v7;
	_ =	sdelay $0x1  }
0x8a: {  	v5 =	vmul.f32 v5, v8;
	v7 =	vmul.f32 v2, v4;
	_ =	sdelay $0x1  }
0x8b: {  	s24 =	simm.s32 $0x1210;
	v8 =	vmul.f32 v5, v6;
	v7 =	vmul.f32 v7, v2  }
0x8c: {  	v9 =	vld [tilespmem:s24+$0x0]  }
0x8d: {  	v8 =	vmul.f32 v8, v5;
	v7 =	vsub.f32 $1.500000000e+00, v7;
	_ =	sdelay $0x1  }
0x8e: {  	v8 =	vsub.f32 $1.500000000e+00, v8;
	v2 =	vmul.f32 v7, v2  }
0x8f: {  	v7 =	vld [tilespmem:s24+$0xFFFFFFF0]  }
0x90: {  	v5 =	vmul.f32 v8, v5;
	v8 =	vshll.u32 v9, $0x1;
	v4 =	vmul.f32 v2, v4  }
0x91: {  	v10 =	vor.u32 $0x1, v8  }
0x92: {  	v6 =	vmul.f32 v5, v6;
	v4 =	vmul.f32 v4, v2  }
0x93: {  	s25 =	simm.s32 $0x1230  }
0x94: {  	v13 =	vld [tilespmem:s25+$0xFFFFFFF0];
	v6 =	vmul.f32 v6, v5;
	v11 =	vshll.u32 v7, $0x1;
	v4 =	vsub.f32 $1.500000000e+00, v4  }
0x95: {  	v8 =	vld.idx.msk [tilespmem:v8+s4+$0x0], $0xffff;
	v12 =	vor.u32 $0x1, v11  }
0x96: {  	v6 =	vsub.f32 $1.500000000e+00, v6;
	v10 =	vld.idx.msk [tilespmem:v10+s4+$0x0], $0xffff;
	v2 =	vmul.f32 v4, v2  }
0x97: {  	v4 =	vld [tilespmem:s25+$0x0]  }
0x98: {  	v5 =	vmul.f32 v6, v5;
	v2 =	vmul.f32 v2, v1;
	v1 =	vld.idx.msk [tilespmem:v7+s20+$0x0], $0xffff  }
0x99: {  	v7 =	vld.idx.msk [tilespmem:v11+s4+$0x0], $0xffff  }
0x9a: {  	v3 =	vmul.f32 v5, v3;
	v5 =	vld.idx.msk [tilespmem:v12+s4+$0x0], $0xffff  }
0x9b: {  	v9 =	vld.idx.msk [tilespmem:v9+s20+$0x0], $0xffff;
	v6 =	vmul.f32 v8, v2  }
0x9c: {  	v10 =	vmul.f32 v10, v3;
	v11 =	vshll.u32 v4, $0x1  }
0x9d: {  	s2 =	simm.s32 $0x1610;
	v16 =	vor.u32 $0x1, v11;
	v14 =	vmul.f32 $-2.000000000e+00, v6;
	v15 =	vmul.f32 v6, v6  }
0x9e: {  	s1 =	simm.s32 $0x1A10;
	[tilespmem:s2+$0x0] =	vst v6;
	v17 =	vmul.f32 v10, v10;
	v18 =	vmul.f32 $-2.000000000e+00, v10  }
0x9f: {  	s3 =	simm.s32 $0x1E10;
	[tilespmem:s1+$0x0] =	vst v10;
	v12 =	vmul.f32 v7, v2;
	v7 =	vshll.u32 v13, $0x1;
	v8 =	vmul.f32 v5, v3  }
0xa0: {  	s5 =	simm.s32 $0x2210;
	v6 =	vld.idx.msk [tilespmem:v13+s20+$0x0], $0xffff;
	[tilespmem:s3+$0x0] =	vst v14;
	v17 =	vadd.f32 v17, v15;
	v15 =	vcvt.s32.f32 v9;
	v9 =	vor.u32 $0x1, v7  }
0xa1: {  	s9 =	simm.s32 $0x2610;
	v5 =	vcvt.s32.f32 v1;
	[tilespmem:s5+$0x0] =	vst v18;
	v1 =	vmul.f32 v12, v12;
	v10 =	vld.idx.msk [tilespmem:v11+s4+$0x0], $0xffff  }
0xa2: {  	s17 =	simm.s32 $0x2A10;
	s21 =	simm.s32 $0x2;
	s22 =	simm.s32 $0x1250;
	v14 =	vmul.f32 v8, v8;
	v13 =	vmul.f32 $-2.000000000e+00, v8;
	[tilespmem:s9+$0x0] =	vst v17;
	v11 =	vld.idx.msk [tilespmem:v16+s4+$0x0], $0xffff  }
.LBB2_5:
0xa3: {  	v16 =	vld [tilespmem:s22+$0x0];
	v17 =	vmul.f32 $-2.000000000e+00, v12;
	[tilespmem:s17+$0x0] =	vst v15;
	s0 =	simm.s32 $0x2A20  }
0xa4: {  	s21 =	sadd.s32 $0x2, s21;
	v15 =	vld [tilespmem:s22+$0xFFFFFFF0];
	[tilespmem:s2+$0xFFFFFFF0] =	vst v12;
	v1 =	vadd.f32 v14, v1  }
0xa5: {  	p0 =	slt.u32 s21, $0x3E;
	v12 =	vld.idx.msk [tilespmem:v9+s4+$0x0], $0xffff;
	[tilespmem:s1+$0xFFFFFFF0] =	vst v8  }
0xa6: {  	v6 =	vcvt.s32.f32 v6;
	v14 =	vld.idx.msk [tilespmem:v7+s4+$0x0], $0xffff;
	[tilespmem:s3+$0xFFFFFFF0] =	vst v17  }
0xa7: {  	v8 =	vmul.f32 v10, v2;
	v17 =	vld.idx.msk [tilespmem:v4+s20+$0x0], $0xffff;
	[tilespmem:s5+$0xFFFFFFF0] =	vst v13  }
0xa8: {  	v11 =	vmul.f32 v11, v3;
	v10 =	vshll.u32 v16, $0x1;
	[tilespmem:s9+$0xFFFFFFF0] =	vst v1;
	v4 =	vmov v16  }
0xa9: {  	s2 =	sadd.s32 $0x20, s2;
	v13 =	vmul.f32 $-2.000000000e+00, v8;
	v7 =	vshll.u32 v15, $0x1;
	v1 =	vor.u32 $0x1, v10;
	[tilespmem:s17+$0xFFFFFFF0] =	vst v5;
	v5 =	vmovc v6  }
.Ltmp5:
0xaa: {  	s1 =	sadd.s32 $0x20, s1;
	v16 =	vmul.f32 v8, v8;
	v18 =	vmul.f32 v11, v11;
	v9 =	vor.u32 $0x1, v7;
	[tilespmem:s2+$0x0] =	vst v8;
	(pc) =	sbr.rel @p0 .LBB2_5-.Ltmp5, $4  }
0xab: {  	s3 =	sadd.s32 $0x20, s3;
	v8 =	vmul.f32 v12, v3;
	[tilespmem:s1+$0x0] =	vst v11;
	v11 =	vmul.f32 $-2.000000000e+00, v11  }
0xac: {  	s5 =	sadd.s32 $0x20, s5;
	v12 =	vmul.f32 v14, v2;
	v16 =	vadd.f32 v18, v16;
	v6 =	vld.idx.msk [tilespmem:v15+s20+$0x0], $0xffff;
	[tilespmem:s3+$0x0] =	vst v13  }
0xad: {  	s9 =	sadd.s32 $0x20, s9;
	v14 =	vmul.f32 v8, v8;
	v15 =	vcvt.s32.f32 v17;
	v10 =	vld.idx.msk [tilespmem:v10+s4+$0x0], $0xffff;
	[tilespmem:s5+$0x0] =	vst v11  }
0xae: {  	s22 =	sadd.s32 $0x20, s22;
	s17 =	sadd.s32 $0x20, s17;
	v13 =	vmul.f32 $-2.000000000e+00, v8;
	v11 =	vld.idx.msk [tilespmem:v1+s4+$0x0], $0xffff;
	v1 =	vmul.f32 v12, v12;
	[tilespmem:s9+$0x0] =	vst v16  }
0xaf: {  	[tilespmem:s17+$0x0] =	vst v15  }
0xb0: {  	v59 =	vmul.f32 $-2.000000000e+00, v12;
	[tilespmem:s2+$0xFFFFFFF0] =	vst v12  }
0xb1: {  	[tilespmem:s1+$0xFFFFFFF0] =	vst v8  }
0xb2: {  	v1 =	vadd.f32 v14, v1;
	[tilespmem:s3+$0xFFFFFFF0] =	vst v59  }
0xb3: {  	v60 =	vld.idx.msk [tilespmem:v9+s4+$0x0], $0xffff;
	v61 =	vmul.f32 v10, v2;
	[tilespmem:s5+$0xFFFFFFF0] =	vst v13  }
0xb4: {  	v4 =	vld.idx.msk [tilespmem:v4+s20+$0x0], $0xffff;
	v62 =	vmul.f32 v11, v3;
	[tilespmem:s9+$0xFFFFFFF0] =	vst v1  }
0xb5: {  	s8 =	sadd.s32 $0x20, s2;
	v1 =	vld.idx.msk [tilespmem:v7+s4+$0x0], $0xffff;
	v7 =	vmul.f32 $-2.000000000e+00, v61;
	[tilespmem:s17+$0xFFFFFFF0] =	vst v5  }
0xb6: {  	s21 =	sadd.s32 $0x20, s1;
	[tilespmem:s8+$0x0] =	vst v61;
	v5 =	vmul.f32 v61, v61;
	v63 =	vmul.f32 v62, v62  }
0xb7: {  	s22 =	sadd.s32 $0x20, s3;
	[tilespmem:s21+$0x0] =	vst v62;
	v10 =	vmul.f32 $-2.000000000e+00, v62  }
0xb8: {  	s23 =	sadd.s32 $0x20, s5;
	[tilespmem:s22+$0x0] =	vst v7;
	v5 =	vadd.f32 v63, v5  }
0xb9: {  	s24 =	sadd.s32 $0x20, s9;
	v3 =	vmul.f32 v60, v3;
	v4 =	vcvt.s32.f32 v4;
	[tilespmem:s23+$0x0] =	vst v10  }
0xba: {  	s25 =	sadd.s32 $0x20, s17;
	v1 =	vmul.f32 v1, v2;
	[tilespmem:s24+$0x0] =	vst v5  }
0xbb: {  	v2 =	vmul.f32 v3, v3;
	[tilespmem:s25+$0x0] =	vst v4  }
0xbc: {  	v4 =	vmul.f32 v1, v1;
	v5 =	vmul.f32 $-2.000000000e+00, v1;
	[tilespmem:s8+$0xFFFFFFF0] =	vst v1  }
0xbd: {  	v1 =	vmul.f32 $-2.000000000e+00, v3;
	[tilespmem:s21+$0xFFFFFFF0] =	vst v3  }
0xbe: {  	v2 =	vadd.f32 v2, v4;
	[tilespmem:s22+$0xFFFFFFF0] =	vst v5  }
0xbf: {  	v3 =	vcvt.s32.f32 v6;
	[tilespmem:s23+$0xFFFFFFF0] =	vst v1  }
0xc0: {  	[tilespmem:s24+$0xFFFFFFF0] =	vst v2  }
0xc1: {  	[tilespmem:s25+$0xFFFFFFF0] =	vst v3  }
0xc2: {  	v1 =	vld [tilespmem:s0+$0xFFFFFFE0];
	_ =	sdelay $0x2  }
0xc3: {  	v4 =	vld [tilespmem:s0+$0xFFFFFFF0]  }
0xc4: {  	v2 =	vimm.f32 $0.0e+00  }
0xc5: {  	v5 =	vadd.f32 v1, v2;
	v1 =	vld [tilespmem:s0+$0x0];
	_ =	sdelay $0x1  }
0xc6: {  	v3 =	vld [tilespmem:s0+$0x10]  }
0xc7: {  	s1 =	simm.s32 $0x0;
	s0 =	simm.s32 $0x2A60;
	v4 =	vadd.f32 v4, v5  }
.LBB2_7:
0xc8: {  	v5 =	vld [tilespmem:s0+$0xFFFFFFE0];
	s1 =	sadd.s32 $0x4, s1  }
0xc9: {  	p0 =	slt.u32 s1, $0x3C;
	v1 =	vadd.f32 v1, v4  }
0xca: {  	v4 =	vld [tilespmem:s0+$0xFFFFFFF0]  }
.Ltmp6:
0xcb: {  	p1 =	por $0x1, $0x1;
	v3 =	vadd.f32 v3, v1;
	(pc) =	sbr.rel @p0 .LBB2_7-.Ltmp6, $4  }
0xcc: {  	v1 =	vld [tilespmem:s0+$0x0]  }
0xcd: {  	v5 =	vadd.f32 v5, v3  }
0xce: {  	v3 =	vld [tilespmem:s0+$0x10]  }
0xcf: {  	s0 =	sadd.s32 $0x40, s0;
	v4 =	vadd.f32 v4, v5  }
0xd0: {  	_ = 	snop  }
.Ltmp7:
0xd1: {  	v1 =	vadd.f32 v1, v4;
	(pc) =	sbr.rel .LBB2_9-.Ltmp7, $3  }
0xd2: {  	_ = 	snop  }
0xd3: {  	v0 =	vadd.f32 v3, v1;
	_ =	sdelay $0x1  }
0xd4: {  	s0 =	simm.s32 $0x0;
	[tilespmem:$0x1FFE0] =	vst v0  }
.LBB2_32:
.Ltmp8:
0xd5: {  	(pc) =	sbr.rel @!p0 .LBB2_33-.Ltmp8, $2  }
0xd6: {  	_ =	sdelay $0x2  }
0xd7: {  	s0 =	simm.s32 $0x1;
	p1 =	por $0x0, $0x0  }
.LBB2_9:
0xd8: {  	s1 =	smul.u32 $0x240, s0  }
.Ltmp9:
0xd9: {  	_ = 	snop;
	(pc) =	sbr.rel .LBB2_10-.Ltmp9, $4  }
0xda: {  	_ = 	snop  }
0xdb: {  	s1 =	sshra.s32 s1, $0x2  }
0xdc: {  	s1 =	sadd.s32 $0x1080, s1  }
0xdd: {  	p0 =	por p1, p1;
	s17 =	sshll.u32 s0, $0x9;
	s9 =	simm.s32 $0x0;
	v4 =	vmov s1  }
.LBB2_31:
0xde: {  	v0 =	vld [tilespmem:$0x1FFA0];
	_ =	sdelay $0x4  }
0xdf: {  	s9 =	sadd.s32 $0x1, s9;
	v0 =	vadd.f32 v21, v0  }
0xe0: {  	p1 =	sne.s32 s9, $0x8  }
.Ltmp10:
0xe1: {  	v0 =	vadd.f32 v20, v0;
	(pc) =	sbr.rel @!p1 .LBB2_32-.Ltmp10, $3  }
0xe2: {  	_ = 	snop  }
0xe3: {  	v0 =	vadd.f32 v23, v0;
	_ =	sdelay $0x1  }
0xe4: {  	v2 =	vadd.f32 v19, v0  }
.LBB2_10:
0xe5: {  	s0 =	sshll.u32 s9, $0x6  }
0xe6: {  	s5 =	ssub.s32 s0, s17  }
0xe7: {  	s0 =	sand.u32 $0x40, s0;
	s1 =	sand.u32 $0xFFFFFF80, s5  }
0xe8: {  	v6 =	vld [tilespmem:s5+$0x2C10];
	s1 =	sor.u32 s0, s1  }
0xe9: {  	v5 =	vld [tilespmem:s1+$0x2C00]  }
0xea: {  	v7 =	vld [tilespmem:s5+$0x2C20]  }
0xeb: {  	v8 =	vld [tilespmem:s5+$0x2C30];
	_ =	sdelay $0x2  }
0xec: {  	v1 =	vmin.f32 v5, v6  }
0xed: {  	v3 =	vmax.f32 v5, v6;
	v1 =	vmin.f32 v1, v7  }
0xee: {  	v3 =	vmax.f32 v3, v7;
	v1 =	vmin.f32 v1, v8  }
0xef: {  	v3 =	vmax.f32 v3, v8;
	(xrf0) =	vmin.scan.msk.f32 $0xffff, v1  }
0xf0: {  	(xrf0) =	vmax.scan.msk.f32 $0xffff, v3;
	_ =	sdelay $0x4  }
0xf1: {  	v1, _, _ =	vpop (xrf0)  }
0xf2: {  	(v2sf) =	vpush v1, $0xF;
	v58, _, _ =	vpop (xrf0)  }
0xf3: {  	(v2sf) =	vpush v58, $0xF;
	_ =	sdelay $0xc  }
0xf4: {  	v10 =	vld [tilespmem:s5+$0x1810]  }
0xf5: {  	v63 =	vld [tilespmem:s5+$0x2810];
	s0 =	spop (v2sf)  }
0xf6: {  	v9 =	vld [tilespmem:s1+$0x1800];
	s2 =	spop (v2sf)  }
0xf7: {  	v13 =	vld [tilespmem:s1+$0x1C00];
	s3 =	scvt.f32.s32 s2  }
0xf8: {  	v62 =	vld [tilespmem:s1+$0x2800];
	s1 =	scvt.f32.s32 s0  }
0xf9: {  	v34 =	vld [tilespmem:s5+$0x2820];
	s21 =	sadd.s32 $0x1, s3  }
0xfa: {  	v11 =	vld [tilespmem:s5+$0x1820];
	p1 =	sle.s32 s21, s1  }
.Ltmp11:
0xfb: {  	v12 =	vld [tilespmem:s5+$0x1830];
	(pc) =	sbr.rel @!p1 .LBB2_11-.Ltmp11, $4  }
0xfc: {  	[tilespmem:$0x1FFA0] =	vst v2;
	v14 =	vld [tilespmem:s5+$0x1C10];
	v19 =	vmul.f32 $8.000000000e+00, v7;
	v25 =	vmul.f32 $8.000000000e+00, v8  }
0xfd: {  	v15 =	vld [tilespmem:s5+$0x1C20];
	[tilespmem:$0x1FFC0] =	vst v63;
	v59 =	vmul.f32 $8.000000000e+00, v5;
	v3 =	vmul.f32 $8.000000000e+00, v6  }
0xfe: {  	v16 =	vld [tilespmem:s5+$0x1C30];
	[tilespmem:$0x1FFD0] =	vst v34;
	v23 =	vadd.f32 $4.000000000e+00, v19;
	v19 =	vadd.f32 $4.000000000e+00, v25  }
0xff: {  	v24 =	vld [tilespmem:s5+$0x2830];
	[tilespmem:$0x1FFB0] =	vst v62;
	v21 =	vadd.f32 $4.000000000e+00, v59;
	v20 =	vadd.f32 $4.000000000e+00, v3  }
.LBB2_18:
0x100: {  	_ = 	snop  }
0x101: {  	v0 =	vmax.f32 v21, v20  }
0x102: {  	v0 =	vmax.f32 v0, v23  }
0x103: {  	v0 =	vmax.f32 v0, v19  }
0x104: {  	(xrf0) =	vmax.scan.msk.f32 $0xffff, v0;
	_ =	sdelay $0x5  }
0x105: {  	v0, _, _ =	vpop (xrf0)  }
0x106: {  	(v2sf) =	vpush v0, $0xF;
	_ =	sdelay $0xe  }
0x107: {  	s3 =	spop (v2sf)  }
0x108: {  	p1 =	sgt.f32 s3, $4.000000000e+00  }
.Ltmp12:
0x109: {  	_ = 	snop;
	(pc) =	sbr.rel @!p1 .LBB2_31-.Ltmp12, $4  }
.Ltmp13:
0x10a: {  	_ = 	snop;
	(pc) =	sbr.rel @p1 .LBB2_19-.Ltmp13, $4  }
0x10b: {  	_ = 	snop  }
0x10c: {  	_ = 	snop  }
0x10d: {  	s1 =	simm.s32 $0x0  }
0x10e: {  	_ = 	snop  }
.LBB2_17:
0x10f: {  	v0 =	vadd.f32 v27, v62  }
0x110: {  	v1 =	vadd.f32 v28, v63  }
0x111: {  	v25 =	vadd.f32 v25, v34;
	v26 =	vadd.f32 v26, v24;
	v0 =	vmax.f32 v0, $0.0e+00  }
0x112: {  	v1 =	vmax.f32 v1, $0.0e+00;
	v2 =	vshra.s32 v0, $0x1;
	v3 =	vmul.f32 $5.000000000e-01, v0  }
0x113: {  	v17 =	vshra.s32 v1, $0x1;
	v18 =	vmul.f32 $5.000000000e-01, v1;
	v2 =	vsub.s32 $0x5F3759DF, v2  }
0x114: {  	v25 =	vmax.f32 v25, $0.0e+00;
	v17 =	vsub.s32 $0x5F3759DF, v17;
	v22 =	vmul.f32 v2, v3  }
0x115: {  	v26 =	vmax.f32 v26, $0.0e+00;
	v50 =	vshra.s32 v25, $0x1;
	v27 =	vmul.f32 v17, v18  }
0x116: {  	v29 =	vmul.f32 $5.000000000e-01, v25;
	v30 =	vshra.s32 v26, $0x1;
	v22 =	vmul.f32 v2, v22  }
0x117: {  	v31 =	vmul.f32 $5.000000000e-01, v26;
	v28 =	vsub.s32 $0x5F3759DF, v50;
	v27 =	vmul.f32 v17, v27  }
0x118: {  	v30 =	vsub.s32 $0x5F3759DF, v30;
	v32 =	vmul.f32 v28, v29;
	v22 =	vsub.f32 $1.500000000e+00, v22  }
0x119: {  	v33 =	vmul.f32 v30, v31;
	v27 =	vsub.f32 $1.500000000e+00, v27  }
0x11a: {  	v2 =	vmul.f32 v2, v22;
	v22 =	vmul.f32 v28, v32  }
0x11b: {  	v17 =	vmul.f32 v17, v27;
	v27 =	vmul.f32 v30, v33  }
0x11c: {  	v51 =	vmul.f32 v2, v3;
	v22 =	vsub.f32 $1.500000000e+00, v22  }
0x11d: {  	v52 =	vmul.f32 v17, v18;
	v27 =	vsub.f32 $1.500000000e+00, v27  }
0x11e: {  	v32 =	vmul.f32 v51, v2;
	v22 =	vmul.f32 v28, v22  }
0x11f: {  	v53 =	vmul.f32 v52, v17;
	v27 =	vmul.f32 v30, v27  }
0x120: {  	v54 =	vsub.f32 $1.500000000e+00, v32;
	v55 =	vmul.f32 v22, v29  }
0x121: {  	v28 =	vsub.f32 $1.500000000e+00, v53;
	v56 =	vmul.f32 v27, v31  }
0x122: {  	v2 =	vmul.f32 v54, v2;
	v57 =	vmul.f32 v55, v22  }
0x123: {  	v17 =	vmul.f32 v28, v17;
	v58 =	vmul.f32 v56, v27  }
0x124: {  	v3 =	vmul.f32 v2, v3;
	v30 =	vsub.f32 $1.500000000e+00, v57  }
0x125: {  	v18 =	vmul.f32 v17, v18;
	v28 =	vsub.f32 $1.500000000e+00, v58  }
0x126: {  	v22 =	vmul.f32 v30, v22;
	v3 =	vmul.f32 v3, v2  }
0x127: {  	v27 =	vmul.f32 v28, v27;
	v18 =	vmul.f32 v18, v17  }
0x128: {  	v3 =	vsub.f32 $1.500000000e+00, v3;
	v59 =	vmul.f32 v22, v29  }
0x129: {  	v18 =	vsub.f32 $1.500000000e+00, v18;
	v60 =	vmul.f32 v27, v31  }
0x12a: {  	v2 =	vmul.f32 v3, v2;
	v3 =	vmul.f32 v59, v22  }
0x12b: {  	s5 =	scvt.s32.f32 s1;
	v17 =	vmul.f32 v18, v17;
	v18 =	vmul.f32 v60, v27  }
0x12c: {  	v0 =	vmul.f32 v2, v0;
	v61 =	vsub.f32 $1.500000000e+00, v3  }
0x12d: {  	v1 =	vmul.f32 v17, v1;
	v3 =	vsub.f32 s5, v5;
	v17 =	vsub.f32 $1.500000000e+00, v18  }
0x12e: {  	v18 =	vsub.f32 s5, v6;
	v2 =	vmul.f32 v61, v22  }
0x12f: {  	v0 =	vmul.f32 $2.500000000e-01, v0;
	v3 =	vand.u32 $0x7FFFFFFF, v3;
	v17 =	vmul.f32 v17, v27  }
0x130: {  	v22 =	vsub.f32 s5, v7;
	v18 =	vand.u32 $0x7FFFFFFF, v18;
	v1 =	vmul.f32 $2.500000000e-01, v1  }
0x131: {  	v3 =	vmul.f32 $4.000000000e+00, v3;
	v2 =	vmul.f32 v2, v25;
	v25 =	vsub.f32 s5, v8  }
0x132: {  	v18 =	vmul.f32 $4.000000000e+00, v18;
	v17 =	vmul.f32 v17, v26;
	v22 =	vand.u32 $0x7FFFFFFF, v22  }
0x133: {  	p1 =	sne.s32 s1, s3;
	v22 =	vmul.f32 $4.000000000e+00, v22;
	v2 =	vmul.f32 $2.500000000e-01, v2;
	v25 =	vand.u32 $0x7FFFFFFF, v25  }
.Ltmp14:
0x134: {  	v17 =	vmul.f32 $2.500000000e-01, v17;
	v25 =	vmul.f32 $4.000000000e+00, v25;
	(pc) =	sbr.rel @!p1 .LBB2_18-.Ltmp14, $4  }
0x135: {  	v0 =	vadd.f32 v0, v3;
	v1 =	vadd.f32 v1, v18  }
0x136: {  	v2 =	vadd.f32 v2, v22;
	v3 =	vadd.f32 v17, v25  }
0x137: {  	s25 =	sadd.s32 $0x1, s1;
	v21 =	vmin.f32 v21, v0  }
0x138: {  	s1 =	smov.u32 s25;
	v20 =	vmin.f32 v20, v1;
	v23 =	vmin.f32 v23, v2;
	v19 =	vmin.f32 v19, v3  }
.LBB2_11:
0x139: {  	_ =	sdelay $0x1  }
0x13a: {  	s5 =	sshll.u32 s1, $0x6  }
0x13b: {  	s5 =	sshra.s32 s5, $0x2  }
0x13c: {  	v1 =	vld.idx.msk [tilespmem:v4+s5+$0x0 ss:$0x1], $0xffff  }
0x13d: {  	v3 =	vld.idx.msk [tilespmem:v4+s5+$0x10 ss:$0x1], $0xffff;
	_ =	sdelay $0x3  }
0x13e: {  	(v2sf) =	vpush v1, $0x0  }
0x13f: {  	(v2sf) =	vpush v3, $0x0;
	_ =	sdelay $0xd  }
0x140: {  	s5 =	spop (v2sf)  }
0x141: {  	s21 =	spop (v2sf)  }
0x142: {  	s22 =	ssub.s32 s21, s5  }
0x143: {  	s23 =	sshra.s32 s22, $0x1F  }
0x144: {  	s23 =	sshrl.u32 s23, $0x1E  }
0x145: {  	s23 =	sadd.s32 s23, s22  }
0x146: {  	s23 =	sand.u32 $0xFFFFFFFC, s23  }
0x147: {  	s24 =	sadd.s32 s5, s23  }
0x148: {  	p1 =	sge.s32 s5, s24  }
.Ltmp15:
0x149: {  	_ = 	snop;
	(pc) =	sbr.rel @p1 .LBB2_14-.Ltmp15, $3  }
0x14a: {  	_ =	sdelay $0x1  }
0x14b: {  	v27 =	vimm.f32 $1.000000020e+30  }
0x14c: {  	v28 =	vimm.f32 $1.000000020e+30;
	v25 =	vimm.f32 $1.000000020e+30;
	v26 =	vimm.f32 $1.000000020e+30  }
0x14d: {  	s25 =	sadd.s32 s5, s17  }
0x14e: {  	v1 =	vmov s25  }
0x14f: {  	s6 =	sadd.s32 $0x1, s25  }
0x150: {  	s7 =	sadd.s32 $0x2, s25;
	s25 =	sadd.s32 $0x3, s25;
	v3 =	vmov s6  }
0x151: {  	v26 =	vmov s25  }
0x152: {  	v27 =	vmov s7  }
0x153: {  	v29 =	vld.idx.msk [tilespmem:v1+s29+$0x0], $0xffff  }
0x154: {  	v32 =	vld.idx.msk [tilespmem:v1+s30+$0x0], $0xffff  }
0x155: {  	v31 =	vld.idx.msk [tilespmem:v3+s29+$0x0], $0xffff  }
0x156: {  	v33 =	vld.idx.msk [tilespmem:v26+s30+$0x0], $0xffff  }
0x157: {  	v54 =	vld.idx.msk [tilespmem:v27+s30+$0x0], $0xffff  }
0x158: {  	v35 =	vld.idx.msk [tilespmem:v26+s29+$0x0], $0xffff;
	v28 =	vmul.f32 v29, v9;
	v30 =	vmul.f32 v29, v10  }
0x159: {  	v34 =	vld.idx.msk [tilespmem:v27+s29+$0x0], $0xffff;
	v45 =	vmul.f32 v29, v11;
	v29 =	vmul.f32 v29, v12  }
0x15a: {  	v36 =	vld.idx.msk [tilespmem:v3+s30+$0x0], $0xffff;
	v60 =	vmul.f32 v32, v15;
	v39 =	vmul.f32 v31, v11  }
0x15b: {  	v40 =	vmul.f32 v31, v12;
	v46 =	vmul.f32 v33, v16  }
0x15c: {  	v47 =	vmul.f32 v31, v9;
	v43 =	vmul.f32 v33, v14  }
0x15d: {  	v48 =	vmul.f32 v31, v10;
	v49 =	vmul.f32 v35, v12  }
0x15e: {  	v31 =	vmul.f32 v34, v11;
	v38 =	vmul.f32 v54, v16  }
0x15f: {  	s5 =	sadd.s32 $0x4, s5;
	v41 =	vld.idx.msk [tilespmem:v3+s31+$0x0], $0xffff;
	v42 =	vmul.f32 v36, v15;
	v44 =	vmul.f32 v33, v15  }
0x160: {  	v25 =	vimm.f32 $1.000000020e+30;
	p2 =	slt.s32 s5, s24;
	v37 =	vld.idx.msk [tilespmem:v26+s31+$0x0], $0xffff;
	v3 =	vmul.f32 v35, v10;
	v50 =	vmul.f32 v36, v16  }
.Ltmp16:
0x161: {  	v26 =	vmul.f32 v36, v13;
	v57 =	vmul.f32 v34, v10;
	v39 =	vadd.f32 v42, v39;
	(pc) =	sbr.rel @!p2 .LBB2_13-.Ltmp16, $4  }
0x162: {  	v59 =	vmul.f32 v36, v14;
	v51 =	vadd.f32 v43, v3;
	v3 =	vadd.f32 v50, v40  }
0x163: {  	v61 =	vmul.f32 v54, v14;
	v50 =	vadd.f32 v26, v47;
	v46 =	vadd.f32 v46, v49  }
0x164: {  	v36 =	vld.idx.msk [tilespmem:v27+s31+$0x0], $0xffff;
	v42 =	vmul.f32 v32, v14;
	v55 =	vadd.f32 v59, v48;
	v26 =	vadd.f32 v3, v41  }
0x165: {  	p1 =	por $0x0, $0x0;
	v43 =	vmul.f32 v34, v9;
	v49 =	vadd.f32 v39, v41;
	v39 =	vld.idx.msk [tilespmem:v1+s31+$0x0], $0xffff;
	v27 =	vadd.f32 v46, v37  }
0x166: {  	v1 =	vmul.f32 v54, v13;
	v3 =	vadd.f32 v61, v57  }
0x167: {  	v40 =	vadd.f32 v60, v45;
	v33 =	vmul.f32 v33, v13;
	v58 =	vmul.f32 v35, v11  }
0x168: {  	s6 =	sadd.s32 s5, s17;
	v59 =	vmul.f32 v35, v9;
	v55 =	vadd.f32 v55, v41;
	v34 =	vmul.f32 v34, v12  }
0x169: {  	v0 =	vadd.f32 v51, v37;
	v50 =	vadd.f32 v50, v41;
	v63 =	vmov s6  }
0x16a: {  	v53 =	vmul.f32 v32, v16;
	v30 =	vadd.f32 v42, v30;
	v56 =	vmul.f32 v54, v15;
	s7 =	sadd.s32 $0x1, s6  }
0x16b: {  	s25 =	sadd.s32 $0x2, s6;
	s6 =	sadd.s32 $0x3, s6;
	v52 =	vmov s7;
	v33 =	vadd.f32 v33, v59;
	v62 =	vadd.f32 v44, v58  }
0x16c: {  	v57 =	vmov s6;
	v34 =	vadd.f32 v38, v34;
	v1 =	vadd.f32 v1, v43  }
0x16d: {  	v2 =	vmul.f32 v32, v13;
	v32 =	vadd.f32 v53, v29;
	v31 =	vadd.f32 v56, v31  }
0x16e: {  	v60 =	vmov s25;
	v3 =	vadd.f32 v3, v36;
	v40 =	vadd.f32 v40, v39;
	v61 =	vld.idx.msk [tilespmem:v63+s29+$0x0], $0xffff  }
0x16f: {  	v47 =	vadd.f32 v62, v37;
	v59 =	vadd.f32 v32, v39;
	v32 =	vld.idx.msk [tilespmem:v63+s30+$0x0], $0xffff  }
0x170: {  	v48 =	vadd.f32 v34, v36;
	v42 =	vadd.f32 v30, v39;
	v44 =	vld.idx.msk [tilespmem:v52+s29+$0x0], $0xffff  }
0x171: {  	v53 =	vadd.f32 v1, v36;
	v46 =	vmin.f32 v25, v40;
	v40 =	vadd.f32 v33, v37;
	v33 =	vld.idx.msk [tilespmem:v57+s30+$0x0], $0xffff  }
0x172: {  	v58 =	vadd.f32 v31, v36;
	v37 =	vadd.f32 v2, v28;
	v59 =	vmin.f32 v25, v59;
	v35 =	vld.idx.msk [tilespmem:v57+s29+$0x0], $0xffff  }
0x173: {  	v41 =	vmin.f32 v46, v49;
	v34 =	vld.idx.msk [tilespmem:v60+s29+$0x0], $0xffff;
	v28 =	vmul.f32 v61, v9;
	v30 =	vmul.f32 v61, v10  }
0x174: {  	v1 =	vld.idx.msk [tilespmem:v52+s30+$0x0], $0xffff;
	v39 =	vadd.f32 v37, v39;
	v45 =	vmul.f32 v61, v11;
	v29 =	vmul.f32 v61, v12  }
0x175: {  	v46 =	vld.idx.msk [tilespmem:v60+s30+$0x0], $0xffff;
	v37 =	vmin.f32 v25, v42;
	v42 =	vmul.f32 v32, v14;
	v43 =	vmul.f32 v44, v11  }
0x176: {  	v56 =	vmin.f32 v41, v58;
	v49 =	vmul.f32 v44, v12;
	v54 =	vmul.f32 v33, v16  }
0x177: {  	v37 =	vmin.f32 v37, v55;
	v61 =	vmul.f32 v44, v9;
	v51 =	vmul.f32 v33, v14  }
0x178: {  	v3 =	vmin.f32 v37, v3;
	v2 =	vmul.f32 v44, v10;
	v17 =	vmul.f32 v35, v12  }
0x179: {  	v41 =	vld.idx.msk [tilespmem:v52+s31+$0x0], $0xffff;
	v39 =	vmin.f32 v25, v39;
	v31 =	vmul.f32 v34, v11;
	v62 =	vmul.f32 v1, v15  }
0x17a: {  	s25 =	sadd.s32 $0x4, s5;
	v37 =	vld.idx.msk [tilespmem:v57+s31+$0x0], $0xffff;
	v52 =	vmin.f32 v3, v0;
	v38 =	vmul.f32 v46, v16;
	v58 =	vmul.f32 v35, v10  }
0x17b: {  	p2 =	slt.s32 s25, s24;
	v44 =	vmul.f32 v33, v15;
	v55 =	vadd.f32 v62, v43;
	v62 =	vmul.f32 v1, v16  }
.Ltmp17:
0x17c: {  	v36 =	vmul.f32 v1, v13;
	v57 =	vmul.f32 v34, v10;
	v51 =	vadd.f32 v51, v58;
	(pc) =	sbr.rel @!p2 .LBB2_23-.Ltmp17, $4  }
0x17d: {  	v43 =	vmul.f32 v34, v9;
	v17 =	vadd.f32 v54, v17;
	v49 =	vadd.f32 v62, v49  }
0x17e: {  	v58 =	vmin.f32 v39, v50;
	v50 =	vadd.f32 v36, v61;
	v1 =	vmul.f32 v1, v14;
	v36 =	vld.idx.msk [tilespmem:v60+s31+$0x0], $0xffff  }
0x17f: {  	v61 =	vmul.f32 v46, v14;
	v39 =	vld.idx.msk [tilespmem:v63+s31+$0x0], $0xffff;
	v63 =	vadd.f32 v17, v37;
	v62 =	vadd.f32 v49, v41  }
0x180: {  	p1 =	por $0x1, $0x1;
	v60 =	vmul.f32 v32, v15;
	v49 =	vadd.f32 v55, v41;
	v55 =	vadd.f32 v1, v2  }
.LBB2_24:
0x181: {  	s5 =	sadd.s32 s25, s17;
	s25 =	sadd.s32 $0x4, s25;
	v0 =	vmul.f32 v46, v13;
	v1 =	vadd.f32 v61, v57;
	v2 =	vmin.f32 v56, v47  }
0x182: {  	v3 =	vmov s5;
	s6 =	sadd.s32 $0x1, s5;
	s7 =	sadd.s32 $0x2, s5;
	p2 =	slt.s32 s25, s24;
	v17 =	vadd.f32 v60, v45;
	v45 =	vmin.f32 v58, v53  }
0x183: {  	v47 =	vmin.f32 v59, v26;
	v26 =	vmovc v62;
	s5 =	sadd.s32 $0x3, s5;
	v54 =	vmov s6;
	v60 =	vmov s7  }
0x184: {  	v47 =	vmin.f32 v47, v48;
	v56 =	vmov s5;
	v1 =	vadd.f32 v1, v36  }
0x185: {  	v33 =	vmul.f32 v33, v13;
	v48 =	vmul.f32 v35, v11;
	v59 =	vmin.f32 v47, v27;
	v27 =	vmovc v63  }
0x186: {  	v35 =	vmul.f32 v35, v9;
	v57 =	vmin.f32 v45, v40;
	v17 =	vadd.f32 v17, v39  }
0x187: {  	v34 =	vmul.f32 v34, v12;
	v55 =	vadd.f32 v55, v41;
	v63 =	vadd.f32 v51, v37;
	v58 =	vld.idx.msk [tilespmem:v3+s29+$0x0], $0xffff  }
0x188: {  	v2 =	vmin.f32 v2, v17;
	v17 =	vadd.f32 v33, v35;
	v35 =	vadd.f32 v44, v48;
	v51 =	vld.idx.msk [tilespmem:v54+s29+$0x0], $0xffff  }
0x189: {  	v50 =	vadd.f32 v50, v41;
	v45 =	vmul.f32 v32, v13;
	v38 =	vadd.f32 v38, v34;
	v44 =	vld.idx.msk [tilespmem:v60+s30+$0x0], $0xffff  }
0x18a: {  	v32 =	vmul.f32 v32, v16;
	v40 =	vadd.f32 v17, v37;
	v47 =	vadd.f32 v35, v37;
	v33 =	vld.idx.msk [tilespmem:v56+s30+$0x0], $0xffff  }
0x18b: {  	v30 =	vadd.f32 v42, v30;
	v2 =	vmin.f32 v2, v49;
	v17 =	vadd.f32 v45, v28;
	v35 =	vld.idx.msk [tilespmem:v56+s29+$0x0], $0xffff  }
0x18c: {  	v0 =	vadd.f32 v0, v43;
	v48 =	vadd.f32 v38, v36;
	v37 =	vmul.f32 v46, v15;
	v34 =	vld.idx.msk [tilespmem:v60+s29+$0x0], $0xffff  }
0x18d: {  	v41 =	vadd.f32 v30, v39;
	v38 =	vadd.f32 v32, v29;
	v28 =	vmul.f32 v58, v9;
	v49 =	vld.idx.msk [tilespmem:v54+s30+$0x0], $0xffff  }
0x18e: {  	v53 =	vadd.f32 v0, v36;
	v30 =	vmul.f32 v58, v10;
	v42 =	vmul.f32 v51, v11;
	v32 =	vld.idx.msk [tilespmem:v3+s30+$0x0], $0xffff  }
0x18f: {  	v31 =	vadd.f32 v37, v31;
	v45 =	vmul.f32 v58, v11;
	v0 =	vmul.f32 v51, v12;
	v46 =	vmovc v44  }
0x190: {  	v62 =	vadd.f32 v38, v39;
	v29 =	vmul.f32 v58, v12;
	v61 =	vmul.f32 v33, v16;
	v37 =	vld.idx.msk [tilespmem:v56+s31+$0x0], $0xffff  }
0x191: {  	v17 =	vadd.f32 v17, v39;
	v18 =	vmul.f32 v51, v9;
	v43 =	vmul.f32 v33, v14  }
0x192: {  	v22 =	vmul.f32 v51, v10;
	v36 =	vadd.f32 v31, v36;
	v39 =	vmul.f32 v35, v12  }
0x193: {  	v51 =	vmin.f32 v52, v41;
	v38 =	vmul.f32 v46, v16;
	v31 =	vmul.f32 v34, v11  }
0x194: {  	v44 =	vmul.f32 v33, v15;
	v56 =	vmin.f32 v2, v36;
	v52 =	vmul.f32 v49, v15;
	v41 =	vld.idx.msk [tilespmem:v54+s31+$0x0], $0xffff  }
0x195: {  	v51 =	vmin.f32 v51, v55;
	v36 =	vmul.f32 v35, v10;
	v2 =	vmul.f32 v49, v13  }
0x196: {  	v1 =	vmin.f32 v51, v1;
	v52 =	vadd.f32 v52, v42;
	v54 =	vmul.f32 v49, v16  }
0x197: {  	v17 =	vmin.f32 v57, v17;
	v51 =	vadd.f32 v43, v36;
	v42 =	vmul.f32 v32, v14  }
.Ltmp18:
0x198: {  	v58 =	vmin.f32 v17, v50;
	v43 =	vmul.f32 v34, v9;
	v0 =	vadd.f32 v54, v0;
	(pc) =	sbr.rel @p2 .LBB2_24-.Ltmp18, $4  }
0x199: {  	v59 =	vmin.f32 v59, v62;
	v57 =	vmul.f32 v34, v10;
	v50 =	vadd.f32 v2, v18  }
0x19a: {  	v2 =	vmul.f32 v49, v14;
	v62 =	vadd.f32 v0, v41;
	v0 =	vadd.f32 v61, v39;
	v36 =	vld.idx.msk [tilespmem:v60+s31+$0x0], $0xffff  }
0x19b: {  	v49 =	vadd.f32 v52, v41;
	v61 =	vmul.f32 v46, v14;
	v52 =	vmin.f32 v1, v63  }
0x19c: {  	v55 =	vadd.f32 v2, v22;
	v60 =	vmul.f32 v32, v15;
	v63 =	vadd.f32 v0, v37;
	v39 =	vld.idx.msk [tilespmem:v3+s31+$0x0], $0xffff  }
0x19d: {  	v1 =	vmov v26;
	v26 =	vmov v62;
	v62 =	vld [tilespmem:$0x1FFB0]  }
0x19e: {  	v3 =	vmov v27;
	v54 =	vmov v46;
	v27 =	vmov v63;
	v63 =	vld [tilespmem:$0x1FFC0]  }
.LBB2_26:
0x19f: {  	v0 =	vmul.f32 v54, v13;
	v2 =	vadd.f32 v61, v57  }
0x1a0: {  	v17 =	vmin.f32 @p1 v56, v47;
	v18 =	vadd.f32 v60, v45;
	v22 =	vmin.f32 @p1 v58, v53  }
0x1a1: {  	v1 =	vmin.f32 @p1 v59, v1;
	v33 =	vmul.f32 v33, v13;
	v53 =	vmul.f32 v35, v11  }
0x1a2: {  	v56 =	vmul.f32 v35, v9;
	v34 =	vmul.f32 v34, v12;
	v46 =	vadd.f32 v51, v37  }
0x1a3: {  	v58 =	vmul.f32 v32, v13;
	v59 =	vadd.f32 v50, v41;
	v60 =	vmul.f32 v54, v15  }
0x1a4: {  	v30 =	vadd.f32 v42, v30;
	v1 =	vmin.f32 @p1 v1, v48;
	v2 =	vadd.f32 v2, v36  }
0x1a5: {  	v1 =	vmin.f32 @p1 v1, v3;
	v3 =	vadd.f32 v18, v39;
	v18 =	vadd.f32 v55, v41  }
0x1a6: {  	v61 =	vmul.f32 v32, v16;
	v33 =	vadd.f32 v33, v56;
	v57 =	vadd.f32 v44, v53  }
0x1a7: {  	v22 =	vmin.f32 @p1 v22, v40;
	v34 =	vadd.f32 v38, v34;
	v28 =	vadd.f32 v58, v28  }
0x1a8: {  	v17 =	vpsel p1, v17, v25;
	v0 =	vadd.f32 v0, v43;
	v31 =	vadd.f32 v60, v31  }
0x1a9: {  	v29 =	vadd.f32 v61, v29;
	v22 =	vpsel p1, v22, v25;
	v33 =	vadd.f32 v33, v37  }
0x1aa: {  	v1 =	vpsel p1, v1, v25;
	v35 =	vadd.f32 v57, v37;
	v34 =	vadd.f32 v34, v36  }
0x1ab: {  	v3 =	vmin.f32 v17, v3;
	v17 =	vadd.f32 v30, v39;
	v30 =	vadd.f32 v31, v36  }
0x1ac: {  	v29 =	vadd.f32 v29, v39;
	v28 =	vadd.f32 v28, v39;
	v3 =	vmin.f32 v3, v49  }
0x1ad: {  	v0 =	vadd.f32 v0, v36;
	v17 =	vmin.f32 v52, v17;
	v3 =	vmin.f32 v3, v30  }
0x1ae: {  	v1 =	vmin.f32 v1, v29;
	v17 =	vmin.f32 v17, v18;
	v18 =	vmin.f32 v22, v28  }
0x1af: {  	v1 =	vmin.f32 v1, v26;
	v2 =	vmin.f32 v17, v2;
	v17 =	vmin.f32 v18, v59  }
0x1b0: {  	v25 =	vmin.f32 v3, v35;
	v1 =	vmin.f32 v1, v34;
	v0 =	vmin.f32 v17, v0  }
0x1b1: {  	v34 =	vld [tilespmem:$0x1FFD0];
	v28 =	vmin.f32 v2, v46;
	v26 =	vmin.f32 v1, v27;
	v27 =	vmin.f32 v0, v33  }
.LBB2_14:
0x1b2: {  	p1 =	sge.s32 s24, s21  }
.Ltmp19:
0x1b3: {  	_ = 	snop;
	(pc) =	sbr.rel @p1 .LBB2_17-.Ltmp19, $1  }
0x1b4: {  	_ =	sdelay $0x3  }
0x1b5: {  	s5 =	ssub.s32 s22, s23  }
0x1b6: {  	s21 =	sadd.s32 s21, s17;
	s5 =	ssub.s32 $0x0, s5  }
.LBB2_16:
0x1b7: {  	s6 =	sadd.s32 s5, s21  }
0x1b8: {  	v0 =	vmov s6;
	_ =	sdelay $0x4  }
0x1b9: {  	v1 =	vld.idx.msk [tilespmem:v0+s29+$0x0], $0xffff  }
0x1ba: {  	v2 =	vld.idx.msk [tilespmem:v0+s30+$0x0], $0xffff;
	_ =	sdelay $0x4  }
0x1bb: {  	v3 =	vmul.f32 v1, v9;
	v17 =	vmul.f32 v2, v13  }
0x1bc: {  	v0 =	vld.idx.msk [tilespmem:v0+s31+$0x0], $0xffff;
	v18 =	vmul.f32 v1, v10;
	v22 =	vmul.f32 v2, v14  }
0x1bd: {  	v29 =	vmul.f32 v1, v11;
	v30 =	vmul.f32 v2, v15  }
0x1be: {  	s5 =	sadd.s32 $0x1, s5;
	v1 =	vmul.f32 v1, v12;
	v2 =	vmul.f32 v2, v16  }
0x1bf: {  	p1 =	seq.s32 s5, $0x0;
	v3 =	vadd.f32 v17, v3;
	v17 =	vadd.f32 v22, v18  }
.Ltmp20:
0x1c0: {  	v18 =	vadd.f32 v30, v29;
	v1 =	vadd.f32 v2, v1;
	(pc) =	sbr.rel @!p1 .LBB2_16-.Ltmp20, $4  }
0x1c1: {  	v61 =	vadd.f32 v3, v0;
	v3 =	vadd.f32 v17, v0  }
0x1c2: {  	v17 =	vadd.f32 v18, v0;
	v0 =	vadd.f32 v1, v0  }
0x1c3: {  	v27 =	vmin.f32 v27, v61  }
0x1c4: {  	v28 =	vmin.f32 v28, v3;
	v25 =	vmin.f32 v25, v17;
	v26 =	vmin.f32 v26, v0  }
.Ltmp21:
0x1c5: {  	_ = 	snop;
	(pc) =	sbr.rel .LBB2_17-.Ltmp21, $1  }
0x1c6: {  	_ =	sdelay $0x3  }
.LBB2_13:
.Ltmp22:
0x1c7: {  	(pc) =	sbr.rel .LBB2_26-.Ltmp22, $2  }
0x1c8: {  	_ =	sdelay $0x2  }
0x1c9: {  	v52 =	vimm.f32 $1.000000020e+30  }
.LBB2_23:
.Ltmp23:
0x1ca: {  	(pc) =	sbr.rel .LBB2_26-.Ltmp23, $3  }
0x1cb: {  	_ =	sdelay $0x1  }
0x1cc: {  	v1 =	vmov v26;
	v26 =	vmov v62;
	v62 =	vld [tilespmem:$0x1FFB0]  }
0x1cd: {  	v3 =	vmov v27;
	v54 =	vmov v46;
	v27 =	vmov v63;
	v63 =	vld [tilespmem:$0x1FFC0]  }
.LBB2_30:
0x1ce: {  	v0 =	vadd.f32 v27, v62  }
0x1cf: {  	v1 =	vadd.f32 v28, v63  }
0x1d0: {  	v25 =	vadd.f32 v25, v34;
	v26 =	vadd.f32 v26, v24;
	v0 =	vmax.f32 v0, $0.0e+00  }
0x1d1: {  	v1 =	vmax.f32 v1, $0.0e+00;
	v2 =	vshra.s32 v0, $0x1;
	v3 =	vmul.f32 $5.000000000e-01, v0  }
0x1d2: {  	v17 =	vshra.s32 v1, $0x1;
	v18 =	vmul.f32 $5.000000000e-01, v1;
	v2 =	vsub.s32 $0x5F3759DF, v2  }
0x1d3: {  	v25 =	vmax.f32 v25, $0.0e+00;
	v17 =	vsub.s32 $0x5F3759DF, v17;
	v22 =	vmul.f32 v2, v3  }
0x1d4: {  	v26 =	vmax.f32 v26, $0.0e+00;
	v50 =	vshra.s32 v25, $0x1;
	v27 =	vmul.f32 v17, v18  }
0x1d5: {  	v29 =	vmul.f32 $5.000000000e-01, v25;
	v30 =	vshra.s32 v26, $0x1;
	v22 =	vmul.f32 v2, v22  }
0x1d6: {  	v31 =	vmul.f32 $5.000000000e-01, v26;
	v28 =	vsub.s32 $0x5F3759DF, v50;
	v27 =	vmul.f32 v17, v27  }
0x1d7: {  	v30 =	vsub.s32 $0x5F3759DF, v30;
	v32 =	vmul.f32 v28, v29;
	v22 =	vsub.f32 $1.500000000e+00, v22  }
0x1d8: {  	v33 =	vmul.f32 v30, v31;
	v27 =	vsub.f32 $1.500000000e+00, v27  }
0x1d9: {  	v2 =	vmul.f32 v2, v22;
	v22 =	vmul.f32 v28, v32  }
0x1da: {  	v17 =	vmul.f32 v17, v27;
	v27 =	vmul.f32 v30, v33  }
0x1db: {  	v51 =	vmul.f32 v2, v3;
	v22 =	vsub.f32 $1.500000000e+00, v22  }
0x1dc: {  	v52 =	vmul.f32 v17, v18;
	v27 =	vsub.f32 $1.500000000e+00, v27  }
0x1dd: {  	v32 =	vmul.f32 v51, v2;
	v22 =	vmul.f32 v28, v22  }
0x1de: {  	v53 =	vmul.f32 v52, v17;
	v27 =	vmul.f32 v30, v27  }
0x1df: {  	v54 =	vsub.f32 $1.500000000e+00, v32;
	v55 =	vmul.f32 v22, v29  }
0x1e0: {  	v28 =	vsub.f32 $1.500000000e+00, v53;
	v56 =	vmul.f32 v27, v31  }
0x1e1: {  	v2 =	vmul.f32 v54, v2;
	v57 =	vmul.f32 v55, v22  }
0x1e2: {  	v17 =	vmul.f32 v28, v17;
	v58 =	vmul.f32 v56, v27  }
0x1e3: {  	v3 =	vmul.f32 v2, v3;
	v30 =	vsub.f32 $1.500000000e+00, v57  }
0x1e4: {  	v18 =	vmul.f32 v17, v18;
	v28 =	vsub.f32 $1.500000000e+00, v58  }
0x1e5: {  	v22 =	vmul.f32 v30, v22;
	v3 =	vmul.f32 v3, v2  }
0x1e6: {  	v27 =	vmul.f32 v28, v27;
	v18 =	vmul.f32 v18, v17  }
0x1e7: {  	v3 =	vsub.f32 $1.500000000e+00, v3;
	v59 =	vmul.f32 v22, v29  }
0x1e8: {  	v18 =	vsub.f32 $1.500000000e+00, v18;
	v60 =	vmul.f32 v27, v31  }
0x1e9: {  	v2 =	vmul.f32 v3, v2;
	v3 =	vmul.f32 v59, v22  }
0x1ea: {  	v17 =	vmul.f32 v18, v17;
	v18 =	vmul.f32 v60, v27  }
0x1eb: {  	v0 =	vmul.f32 v2, v0;
	v61 =	vsub.f32 $1.500000000e+00, v3  }
0x1ec: {  	v1 =	vmul.f32 v17, v1;
	v3 =	vsub.f32 s21, v5;
	v17 =	vsub.f32 $1.500000000e+00, v18  }
0x1ed: {  	v18 =	vsub.f32 s21, v6;
	v2 =	vmul.f32 v61, v22  }
0x1ee: {  	v0 =	vmul.f32 $2.500000000e-01, v0;
	v3 =	vand.u32 $0x7FFFFFFF, v3;
	v17 =	vmul.f32 v17, v27  }
0x1ef: {  	v22 =	vsub.f32 s21, v7;
	v18 =	vand.u32 $0x7FFFFFFF, v18;
	v1 =	vmul.f32 $2.500000000e-01, v1  }
0x1f0: {  	v3 =	vmul.f32 $4.000000000e+00, v3;
	v2 =	vmul.f32 v2, v25;
	v25 =	vsub.f32 s21, v8  }
0x1f1: {  	s1 =	sadd.s32 $0x1, s1;
	v18 =	vmul.f32 $4.000000000e+00, v18;
	v17 =	vmul.f32 v17, v26;
	v22 =	vand.u32 $0x7FFFFFFF, v22  }
0x1f2: {  	p1 =	sne.s32 s1, $0x8;
	v22 =	vmul.f32 $4.000000000e+00, v22;
	v2 =	vmul.f32 $2.500000000e-01, v2;
	v25 =	vand.u32 $0x7FFFFFFF, v25  }
.Ltmp24:
0x1f3: {  	v17 =	vmul.f32 $2.500000000e-01, v17;
	v25 =	vmul.f32 $4.000000000e+00, v25;
	(pc) =	sbr.rel @!p1 .LBB2_31-.Ltmp24, $4  }
0x1f4: {  	v0 =	vadd.f32 v0, v3;
	v1 =	vadd.f32 v1, v18  }
0x1f5: {  	v2 =	vadd.f32 v2, v22;
	v3 =	vadd.f32 v17, v25  }
0x1f6: {  	v21 =	vmin.f32 v21, v0  }
0x1f7: {  	v20 =	vmin.f32 v20, v1;
	v23 =	vmin.f32 v23, v2;
	v19 =	vmin.f32 v19, v3  }
.LBB2_19:
0x1f8: {  	_ =	sdelay $0x1  }
0x1f9: {  	s5 =	sshll.u32 s1, $0x4  }
0x1fa: {  	s5 =	sand.u32 $0x3FFFFFF0, s5  }
0x1fb: {  	v0 =	vld.idx.msk [tilespmem:v4+s5+$0x0 ss:$0x1], $0xffff  }
0x1fc: {  	v1 =	vld.idx.msk [tilespmem:v4+s5+$0x10 ss:$0x1], $0xffff;
	_ =	sdelay $0x3  }
0x1fd: {  	(v2sf) =	vpush v0, $0x0  }
0x1fe: {  	(v2sf) =	vpush v1, $0x0;
	_ =	sdelay $0x5  }
0x1ff: {  	s21 =	scvt.s32.f32 s1;
	_ =	sdelay $0x1  }
0x200: {  	s24 =	ssub.f32 s0, s21  }
0x201: {  	s6 =	ssub.f32 s21, s2;
	_ =	sdelay $0x1  }
0x202: {  	s6 =	smax.f32 s24, s6  }
0x203: {  	s7 =	smul.f32 $4.000000000e+00, s6;
	_ =	sdelay $0x1  }
0x204: {  	p1 =	sgt.f32 s3, s7;
	s5 =	spop (v2sf)  }
0x205: {  	p2 =	sgt.f32 s6, $0.0e+00;
	s6 =	spop (v2sf);
	s7 =	smov.u32 s5  }
0x206: {  	s22 =	smov.u32 s5;
	s7 =	smov.u32 @p1 s6  }
0x207: {  	s22 =	smov.u32 @p2 s7  }
0x208: {  	s23 =	ssub.s32 s22, s5  }
0x209: {  	s25 =	sshra.s32 s23, $0x1F  }
0x20a: {  	s6 =	sshrl.u32 s25, $0x1E  }
0x20b: {  	s6 =	sadd.s32 s6, s23  }
0x20c: {  	s24 =	sand.u32 $0xFFFFFFFC, s6  }
0x20d: {  	s25 =	sadd.s32 s5, s24  }
0x20e: {  	p1 =	sge.s32 s5, s25  }
.Ltmp25:
0x20f: {  	_ = 	snop;
	(pc) =	sbr.rel @p1 .LBB2_27-.Ltmp25, $3  }
0x210: {  	_ =	sdelay $0x1  }
0x211: {  	v27 =	vimm.f32 $1.000000020e+30  }
0x212: {  	v28 =	vimm.f32 $1.000000020e+30;
	v25 =	vimm.f32 $1.000000020e+30;
	v26 =	vimm.f32 $1.000000020e+30  }
0x213: {  	s6 =	sadd.s32 s5, s17  }
0x214: {  	v0 =	vmov s6;
	s7 =	sadd.s32 $0x1, s6  }
0x215: {  	s8 =	sadd.s32 $0x2, s6;
	v1 =	vmov s7  }
0x216: {  	s6 =	sadd.s32 $0x3, s6;
	v2 =	vmov s8  }
0x217: {  	v3 =	vmov s6;
	_ =	sdelay $0x1  }
0x218: {  	v17 =	vld.idx.msk [tilespmem:v0+s29+$0x0], $0xffff  }
0x219: {  	v18 =	vld.idx.msk [tilespmem:v1+s29+$0x0], $0xffff  }
0x21a: {  	v54 =	vld.idx.msk [tilespmem:v2+s30+$0x0], $0xffff  }
0x21b: {  	v33 =	vld.idx.msk [tilespmem:v3+s30+$0x0], $0xffff  }
0x21c: {  	v35 =	vld.idx.msk [tilespmem:v3+s29+$0x0], $0xffff  }
0x21d: {  	v34 =	vld.idx.msk [tilespmem:v2+s29+$0x0], $0xffff;
	v28 =	vmul.f32 v17, v9;
	v30 =	vmul.f32 v17, v10  }
0x21e: {  	v22 =	vld.idx.msk [tilespmem:v1+s30+$0x0], $0xffff;
	v45 =	vmul.f32 v17, v11;
	v29 =	vmul.f32 v17, v12  }
0x21f: {  	v26 =	vmul.f32 v18, v11;
	v27 =	vmul.f32 v18, v12  }
0x220: {  	v17 =	vmul.f32 v33, v16;
	v36 =	vmul.f32 v18, v9  }
0x221: {  	v32 =	vld.idx.msk [tilespmem:v0+s30+$0x0], $0xffff;
	v39 =	vmul.f32 v33, v14;
	v18 =	vmul.f32 v18, v10  }
0x222: {  	v40 =	vmul.f32 v35, v12;
	v31 =	vmul.f32 v34, v11  }
0x223: {  	v38 =	vmul.f32 v54, v16;
	v42 =	vmul.f32 v22, v15  }
0x224: {  	s5 =	sadd.s32 $0x4, s5;
	v41 =	vld.idx.msk [tilespmem:v1+s31+$0x0], $0xffff;
	v44 =	vmul.f32 v33, v15;
	v60 =	vmul.f32 v35, v10  }
0x225: {  	v25 =	vimm.f32 $1.000000020e+30;
	p2 =	slt.s32 s5, s25;
	v37 =	vld.idx.msk [tilespmem:v3+s31+$0x0], $0xffff;
	v3 =	vmul.f32 v22, v13;
	v43 =	vmul.f32 v22, v16  }
.Ltmp26:
0x226: {  	v57 =	vmul.f32 v34, v10;
	v46 =	vadd.f32 v42, v26;
	v42 =	vmul.f32 v32, v14;
	(pc) =	sbr.rel @!p2 .LBB2_21-.Ltmp26, $4  }
0x227: {  	v51 =	vadd.f32 v39, v60;
	v61 =	vadd.f32 v43, v27;
	v43 =	vmul.f32 v34, v9  }
0x228: {  	v50 =	vadd.f32 v3, v36;
	v3 =	vmul.f32 v22, v14;
	v17 =	vadd.f32 v17, v40  }
0x229: {  	v36 =	vld.idx.msk [tilespmem:v2+s31+$0x0], $0xffff;
	v60 =	vmul.f32 v32, v15;
	v26 =	vadd.f32 v61, v41;
	v49 =	vadd.f32 v46, v41  }
0x22a: {  	p1 =	por $0x0, $0x0;
	v39 =	vld.idx.msk [tilespmem:v0+s31+$0x0], $0xffff;
	v61 =	vmul.f32 v54, v14;
	v55 =	vadd.f32 v3, v18;
	v27 =	vadd.f32 v17, v37  }
0x22b: {  	v0 =	vmul.f32 v54, v13;
	v33 =	vmul.f32 v33, v13  }
0x22c: {  	v3 =	vadd.f32 v60, v45;
	v40 =	vmul.f32 v35, v11;
	v58 =	vmul.f32 v35, v9  }
0x22d: {  	s6 =	sadd.s32 s5, s17;
	v34 =	vmul.f32 v34, v12;
	v50 =	vadd.f32 v50, v41;
	v62 =	vmul.f32 v32, v16  }
0x22e: {  	v30 =	vadd.f32 v42, v30;
	v1 =	vadd.f32 v61, v57;
	v2 =	vmov s6;
	s7 =	sadd.s32 $0x1, s6  }
0x22f: {  	s8 =	sadd.s32 $0x2, s6;
	s6 =	sadd.s32 $0x3, s6;
	v52 =	vadd.f32 v55, v41;
	v55 =	vadd.f32 v51, v37;
	v17 =	vmov s7  }
0x230: {  	v61 =	vmul.f32 v32, v13;
	v22 =	vmov s6;
	v33 =	vadd.f32 v33, v58  }
0x231: {  	v18 =	vmov s8;
	v60 =	vadd.f32 v44, v40;
	v34 =	vadd.f32 v38, v34  }
0x232: {  	v0 =	vadd.f32 v0, v43;
	v32 =	vadd.f32 v62, v29  }
0x233: {  	v1 =	vadd.f32 v1, v36;
	v63 =	vadd.f32 v61, v28;
	v59 =	vld.idx.msk [tilespmem:v2+s29+$0x0], $0xffff  }
0x234: {  	v3 =	vadd.f32 v3, v39;
	v40 =	vadd.f32 v33, v37;
	v44 =	vld.idx.msk [tilespmem:v17+s29+$0x0], $0xffff  }
0x235: {  	v47 =	vadd.f32 v60, v37;
	v48 =	vadd.f32 v34, v36;
	v33 =	vld.idx.msk [tilespmem:v22+s30+$0x0], $0xffff  }
0x236: {  	v41 =	vadd.f32 v30, v39;
	v53 =	vadd.f32 v0, v36;
	v46 =	vld.idx.msk [tilespmem:v18+s30+$0x0], $0xffff  }
0x237: {  	v60 =	vmul.f32 v54, v15;
	v54 =	vadd.f32 v32, v39;
	v39 =	vadd.f32 v63, v39;
	v35 =	vld.idx.msk [tilespmem:v22+s29+$0x0], $0xffff  }
0x238: {  	v3 =	vmin.f32 v25, v3;
	v34 =	vld.idx.msk [tilespmem:v18+s29+$0x0], $0xffff;
	v28 =	vmul.f32 v59, v9;
	v30 =	vmul.f32 v59, v10  }
0x239: {  	v31 =	vadd.f32 v60, v31;
	v0 =	vld.idx.msk [tilespmem:v17+s30+$0x0], $0xffff;
	v45 =	vmul.f32 v59, v11;
	v29 =	vmul.f32 v59, v12  }
0x23a: {  	v3 =	vmin.f32 v3, v49;
	v42 =	vmul.f32 v44, v11;
	v43 =	vmul.f32 v44, v12  }
0x23b: {  	v61 =	vadd.f32 v31, v36;
	v49 =	vmul.f32 v33, v16;
	v57 =	vmul.f32 v44, v9  }
0x23c: {  	v62 =	vmin.f32 v25, v41;
	v51 =	vmul.f32 v33, v14;
	v63 =	vmul.f32 v44, v10  }
0x23d: {  	v32 =	vld.idx.msk [tilespmem:v2+s30+$0x0], $0xffff;
	v56 =	vmin.f32 v3, v61;
	v60 =	vmul.f32 v35, v12;
	v31 =	vmul.f32 v34, v11  }
0x23e: {  	v61 =	vmin.f32 v62, v52;
	v38 =	vmul.f32 v46, v16;
	v58 =	vmul.f32 v0, v15  }
0x23f: {  	v1 =	vmin.f32 v61, v1;
	v44 =	vmul.f32 v33, v15;
	v3 =	vmul.f32 v0, v13  }
0x240: {  	s5 =	sadd.s32 $0x4, s5;
	v41 =	vld.idx.msk [tilespmem:v17+s31+$0x0], $0xffff;
	v59 =	vmin.f32 v25, v54;
	v17 =	vmul.f32 v35, v10;
	v62 =	vmul.f32 v0, v16  }
0x241: {  	p2 =	slt.s32 s5, s25;
	v37 =	vld.idx.msk [tilespmem:v22+s31+$0x0], $0xffff;
	v0 =	vmul.f32 v0, v14;
	v61 =	vmul.f32 v46, v14;
	v52 =	vadd.f32 v58, v42  }
.Ltmp27:
0x242: {  	v42 =	vmul.f32 v32, v14;
	v51 =	vadd.f32 v51, v17;
	v17 =	vmin.f32 v25, v39;
	(pc) =	sbr.rel @!p2 .LBB2_37-.Ltmp27, $4  }
0x243: {  	v22 =	vadd.f32 v62, v43;
	v43 =	vmul.f32 v34, v9;
	v58 =	vmin.f32 v17, v50  }
0x244: {  	v50 =	vadd.f32 v3, v57;
	v57 =	vmul.f32 v34, v10;
	v3 =	vadd.f32 v49, v60  }
0x245: {  	v36 =	vld.idx.msk [tilespmem:v18+s31+$0x0], $0xffff;
	v60 =	vmul.f32 v32, v15;
	v62 =	vadd.f32 v22, v41;
	v49 =	vadd.f32 v52, v41  }
0x246: {  	p1 =	por $0x1, $0x1;
	v39 =	vld.idx.msk [tilespmem:v2+s31+$0x0], $0xffff;
	v52 =	vmin.f32 v1, v55;
	v55 =	vadd.f32 v0, v63;
	v63 =	vadd.f32 v3, v37  }
.LBB2_38:
0x247: {  	s6 =	sadd.s32 s5, s17;
	s5 =	sadd.s32 $0x4, s5;
	v0 =	vmul.f32 v46, v13;
	v1 =	vadd.f32 v61, v57;
	v2 =	vmin.f32 v56, v47  }
0x248: {  	v18 =	vmin.f32 v58, v53;
	v3 =	vmov s6;
	s7 =	sadd.s32 $0x1, s6;
	s8 =	sadd.s32 $0x2, s6;
	p2 =	slt.s32 s5, s25;
	v17 =	vadd.f32 v60, v45  }
0x249: {  	s6 =	sadd.s32 $0x3, s6;
	v45 =	vmin.f32 v59, v26;
	v26 =	vmovc v62;
	v22 =	vmov s7;
	v54 =	vmov s8  }
0x24a: {  	v56 =	vmov s6;
	v1 =	vadd.f32 v1, v36;
	v45 =	vmin.f32 v45, v48  }
0x24b: {  	v33 =	vmul.f32 v33, v13;
	v47 =	vmul.f32 v35, v11;
	v59 =	vmin.f32 v45, v27;
	v27 =	vmovc v63  }
0x24c: {  	v35 =	vmul.f32 v35, v9;
	v18 =	vmin.f32 v18, v40;
	v17 =	vadd.f32 v17, v39  }
0x24d: {  	v34 =	vmul.f32 v34, v12;
	v55 =	vadd.f32 v55, v41;
	v60 =	vadd.f32 v51, v37;
	v57 =	vld.idx.msk [tilespmem:v3+s29+$0x0], $0xffff  }
0x24e: {  	v2 =	vmin.f32 v2, v17;
	v17 =	vadd.f32 v33, v35;
	v35 =	vadd.f32 v44, v47;
	v51 =	vld.idx.msk [tilespmem:v22+s29+$0x0], $0xffff  }
0x24f: {  	v50 =	vadd.f32 v50, v41;
	v38 =	vadd.f32 v38, v34;
	v45 =	vmul.f32 v32, v13;
	v44 =	vld.idx.msk [tilespmem:v54+s30+$0x0], $0xffff  }
0x250: {  	v32 =	vmul.f32 v32, v16;
	v40 =	vadd.f32 v17, v37;
	v47 =	vadd.f32 v35, v37;
	v33 =	vld.idx.msk [tilespmem:v56+s30+$0x0], $0xffff  }
0x251: {  	v30 =	vadd.f32 v42, v30;
	v2 =	vmin.f32 v2, v49;
	v17 =	vadd.f32 v45, v28;
	v35 =	vld.idx.msk [tilespmem:v56+s29+$0x0], $0xffff  }
0x252: {  	v0 =	vadd.f32 v0, v43;
	v48 =	vadd.f32 v38, v36;
	v37 =	vmul.f32 v46, v15;
	v34 =	vld.idx.msk [tilespmem:v54+s29+$0x0], $0xffff  }
0x253: {  	v41 =	vadd.f32 v30, v39;
	v38 =	vadd.f32 v32, v29;
	v28 =	vmul.f32 v57, v9;
	v49 =	vld.idx.msk [tilespmem:v22+s30+$0x0], $0xffff  }
0x254: {  	v53 =	vadd.f32 v0, v36;
	v30 =	vmul.f32 v57, v10;
	v42 =	vmul.f32 v51, v11;
	v32 =	vld.idx.msk [tilespmem:v3+s30+$0x0], $0xffff  }
0x255: {  	v31 =	vadd.f32 v37, v31;
	v45 =	vmul.f32 v57, v11;
	v0 =	vmul.f32 v51, v12;
	v46 =	vmovc v44  }
0x256: {  	v62 =	vadd.f32 v38, v39;
	v29 =	vmul.f32 v57, v12;
	v61 =	vmul.f32 v33, v16;
	v37 =	vld.idx.msk [tilespmem:v56+s31+$0x0], $0xffff  }
0x257: {  	v17 =	vadd.f32 v17, v39;
	v57 =	vmul.f32 v51, v9;
	v43 =	vmul.f32 v33, v14  }
0x258: {  	v63 =	vmul.f32 v51, v10;
	v36 =	vadd.f32 v31, v36;
	v39 =	vmul.f32 v35, v12  }
0x259: {  	v51 =	vmin.f32 v52, v41;
	v38 =	vmul.f32 v46, v16;
	v31 =	vmul.f32 v34, v11  }
0x25a: {  	v44 =	vmul.f32 v33, v15;
	v56 =	vmin.f32 v2, v36;
	v41 =	vld.idx.msk [tilespmem:v22+s31+$0x0], $0xffff;
	v22 =	vmul.f32 v49, v15  }
0x25b: {  	v51 =	vmin.f32 v51, v55;
	v36 =	vmul.f32 v35, v10;
	v2 =	vmul.f32 v49, v13  }
0x25c: {  	v1 =	vmin.f32 v51, v1;
	v52 =	vmul.f32 v49, v16;
	v22 =	vadd.f32 v22, v42  }
0x25d: {  	v17 =	vmin.f32 v18, v17;
	v51 =	vadd.f32 v43, v36;
	v42 =	vmul.f32 v32, v14  }
.Ltmp28:
0x25e: {  	v58 =	vmin.f32 v17, v50;
	v43 =	vmul.f32 v34, v9;
	v0 =	vadd.f32 v52, v0;
	(pc) =	sbr.rel @p2 .LBB2_38-.Ltmp28, $4  }
0x25f: {  	v59 =	vmin.f32 v59, v62;
	v50 =	vadd.f32 v2, v57;
	v57 =	vmul.f32 v34, v10  }
0x260: {  	v2 =	vmul.f32 v49, v14;
	v62 =	vadd.f32 v0, v41;
	v0 =	vadd.f32 v61, v39;
	v36 =	vld.idx.msk [tilespmem:v54+s31+$0x0], $0xffff  }
0x261: {  	v52 =	vmin.f32 v1, v60;
	v49 =	vadd.f32 v22, v41;
	v61 =	vmul.f32 v46, v14  }
0x262: {  	v60 =	vmul.f32 v32, v15;
	v55 =	vadd.f32 v2, v63;
	v63 =	vadd.f32 v0, v37;
	v39 =	vld.idx.msk [tilespmem:v3+s31+$0x0], $0xffff  }
0x263: {  	v1 =	vmov v26;
	v26 =	vmov v62;
	v62 =	vld [tilespmem:$0x1FFB0]  }
0x264: {  	v3 =	vmov v27;
	v54 =	vmov v46;
	v27 =	vmov v63;
	v63 =	vld [tilespmem:$0x1FFC0]  }
.LBB2_40:
0x265: {  	v0 =	vmul.f32 v54, v13;
	v2 =	vadd.f32 v61, v57  }
0x266: {  	v17 =	vmin.f32 @p1 v56, v47;
	v18 =	vadd.f32 v60, v45;
	v22 =	vmin.f32 @p1 v58, v53  }
0x267: {  	v1 =	vmin.f32 @p1 v59, v1;
	v33 =	vmul.f32 v33, v13;
	v53 =	vmul.f32 v35, v11  }
0x268: {  	v56 =	vmul.f32 v35, v9;
	v34 =	vmul.f32 v34, v12;
	v46 =	vadd.f32 v51, v37  }
0x269: {  	v58 =	vmul.f32 v32, v13;
	v59 =	vadd.f32 v50, v41;
	v60 =	vmul.f32 v54, v15  }
0x26a: {  	v30 =	vadd.f32 v42, v30;
	v1 =	vmin.f32 @p1 v1, v48;
	v2 =	vadd.f32 v2, v36  }
0x26b: {  	v1 =	vmin.f32 @p1 v1, v3;
	v3 =	vadd.f32 v18, v39;
	v18 =	vadd.f32 v55, v41  }
0x26c: {  	v61 =	vmul.f32 v32, v16;
	v33 =	vadd.f32 v33, v56;
	v57 =	vadd.f32 v44, v53  }
0x26d: {  	v22 =	vmin.f32 @p1 v22, v40;
	v34 =	vadd.f32 v38, v34;
	v28 =	vadd.f32 v58, v28  }
0x26e: {  	v17 =	vpsel p1, v17, v25;
	v0 =	vadd.f32 v0, v43;
	v31 =	vadd.f32 v60, v31  }
0x26f: {  	v29 =	vadd.f32 v61, v29;
	v22 =	vpsel p1, v22, v25;
	v33 =	vadd.f32 v33, v37  }
0x270: {  	v1 =	vpsel p1, v1, v25;
	v35 =	vadd.f32 v57, v37;
	v34 =	vadd.f32 v34, v36  }
0x271: {  	v3 =	vmin.f32 v17, v3;
	v17 =	vadd.f32 v30, v39;
	v30 =	vadd.f32 v31, v36  }
0x272: {  	v29 =	vadd.f32 v29, v39;
	v28 =	vadd.f32 v28, v39;
	v3 =	vmin.f32 v3, v49  }
0x273: {  	v0 =	vadd.f32 v0, v36;
	v17 =	vmin.f32 v52, v17;
	v3 =	vmin.f32 v3, v30  }
0x274: {  	v1 =	vmin.f32 v1, v29;
	v17 =	vmin.f32 v17, v18;
	v18 =	vmin.f32 v22, v28  }
0x275: {  	v1 =	vmin.f32 v1, v26;
	v2 =	vmin.f32 v17, v2;
	v17 =	vmin.f32 v18, v59  }
0x276: {  	v25 =	vmin.f32 v3, v35;
	v1 =	vmin.f32 v1, v34;
	v0 =	vmin.f32 v17, v0  }
0x277: {  	v34 =	vld [tilespmem:$0x1FFD0];
	v28 =	vmin.f32 v2, v46;
	v26 =	vmin.f32 v1, v27;
	v27 =	vmin.f32 v0, v33  }
.LBB2_27:
0x278: {  	p1 =	sge.s32 s25, s22  }
.Ltmp29:
0x279: {  	_ = 	snop;
	(pc) =	sbr.rel @p1 .LBB2_30-.Ltmp29, $1  }
0x27a: {  	_ =	sdelay $0x3  }
0x27b: {  	s5 =	ssub.s32 s23, s24  }
0x27c: {  	s22 =	sadd.s32 s22, s17;
	s5 =	ssub.s32 $0x0, s5  }
.LBB2_29:
0x27d: {  	s6 =	sadd.s32 s5, s22  }
0x27e: {  	v0 =	vmov s6;
	_ =	sdelay $0x4  }
0x27f: {  	v1 =	vld.idx.msk [tilespmem:v0+s29+$0x0], $0xffff  }
0x280: {  	v2 =	vld.idx.msk [tilespmem:v0+s30+$0x0], $0xffff;
	_ =	sdelay $0x4  }
0x281: {  	v3 =	vmul.f32 v1, v9;
	v17 =	vmul.f32 v2, v13  }
0x282: {  	v0 =	vld.idx.msk [tilespmem:v0+s31+$0x0], $0xffff;
	v18 =	vmul.f32 v1, v10;
	v22 =	vmul.f32 v2, v14  }
0x283: {  	v29 =	vmul.f32 v1, v11;
	v30 =	vmul.f32 v2, v15  }
0x284: {  	s5 =	sadd.s32 $0x1, s5;
	v1 =	vmul.f32 v1, v12;
	v2 =	vmul.f32 v2, v16  }
0x285: {  	p1 =	seq.s32 s5, $0x0;
	v3 =	vadd.f32 v17, v3;
	v17 =	vadd.f32 v22, v18  }
.Ltmp30:
0x286: {  	v18 =	vadd.f32 v30, v29;
	v1 =	vadd.f32 v2, v1;
	(pc) =	sbr.rel @!p1 .LBB2_29-.Ltmp30, $4  }
0x287: {  	v61 =	vadd.f32 v3, v0;
	v3 =	vadd.f32 v17, v0  }
0x288: {  	v17 =	vadd.f32 v18, v0;
	v0 =	vadd.f32 v1, v0  }
0x289: {  	v27 =	vmin.f32 v27, v61  }
0x28a: {  	v28 =	vmin.f32 v28, v3;
	v25 =	vmin.f32 v25, v17;
	v26 =	vmin.f32 v26, v0  }
.Ltmp31:
0x28b: {  	_ = 	snop;
	(pc) =	sbr.rel .LBB2_30-.Ltmp31, $1  }
0x28c: {  	_ =	sdelay $0x3  }
.LBB2_21:
.Ltmp32:
0x28d: {  	(pc) =	sbr.rel .LBB2_40-.Ltmp32, $2  }
0x28e: {  	_ =	sdelay $0x2  }
0x28f: {  	v52 =	vimm.f32 $1.000000020e+30  }
.LBB2_37:
.Ltmp33:
0x290: {  	(pc) =	sbr.rel .LBB2_40-.Ltmp33, $3  }
0x291: {  	_ =	sdelay $0x1  }
0x292: {  	v1 =	vmov v26;
	v26 =	vmov v62;
	v62 =	vld [tilespmem:$0x1FFB0]  }
0x293: {  	v3 =	vmov v27;
	v54 =	vmov v46;
	v27 =	vmov v63;
	v63 =	vld [tilespmem:$0x1FFC0]  }
.LBB2_35:
0x294: {  	_ =	sfence.sel $0x180000  }
0x295: {  	[bflag:$0x0] =	sbarrier.arrive $0xFFFF  }
0x296: {  	_ =	strace $0x90000047  }
0x297: {  	s0 =	stileid.u32;
	[bflag:$0x2] =	sbarrier.arrive $0xFFFF  }
0x298: {  	p0 =	sne.s32 s0, $0x0;
	s0 =	rddreg [dreg:$0x3]  }
0x299: {  	s0 =	sadd.s32 @!p0 $0x100000, s0  }
0x29a: {  	[sflag:s0] =	ssyncadd.tile.s32 @!p0 $0x1;
	_ =	shalt  }
.Lfunc_end2:
_tile_overlayer_lowered:
.L_overlay_start_2:
0x29b: {  	(tag) =	ssettag $0x2  }
0x29c: {  	s0 =	rddreg [dreg:$0x0];
	s2 =	stileid.u32  }
0x29d: {  	s1 =	rddreg [dreg:$0x1];
	p0 =	sne.s32 s2, $0x0  }
0x29e: {  	s3 =	rddreg [dreg:$0x2];
	[bflag:$0x3] =	sbarrier.arrive $0xFFFF;
	s2 =	simm.s32 @!p0 $0x1C02  }
0x29f: {  	[timem:s3], [sflag:s2] =	dma.local @!p0 [hbm:s0], s1  }
0x2a0: {  	s0 =	simm.s32 @!p0 $0x2  }
0x2a1: {  	_ =	swait.ge @!p0 [sflag:s0], s1  }
0x2a2: {  	s1 =	ssub.s32 @!p0 $0x0, s1;
	[sflag:s0] =	ssyncset.done @!p0 $0x0  }
0x2a3: {  	[sflag:s0] =	ssyncadd.s32 @!p0 s1  }
0x2a4: {  	[bflag:$0x3] =	sbarrier.arrive $0xFFFF  }
0x2a5: {  	_ =	shalt  }

</sc_bundles>
